<compile_context>
chip_gen: v7x
topology: tpu7x:2x2x1
jax: 0.10.2.dev20260603
libtpu: 0.0.44.dev20260713+nightly
codegen_flags: <defaults>
</compile_context>

<pallas_src>
import functools

import jax
import jax.numpy as jnp
from jax import lax
from jax.experimental import pallas as pl
from jax.experimental.pallas import tpu as pltpu
from jax.experimental.pallas import tpu_sc as plsc

N = 10000
NP = 10240
E = 320000
D = 128
EPS = 1e-5

NC = 2
NS = 16
NW = NC * NS
K = 128
CPT = 80
EP = NW * CPT * K
HCH = 40
RPW = NP // NS
HL = 16

_mesh = plsc.VectorSubcoreMesh(core_axis_name="c", subcore_axis_name="s")


NR = NP // D


@functools.partial(
    pl.kernel,
    out_type=(
        jax.ShapeDtypeStruct((NR, D), jnp.float32),
        jax.ShapeDtypeStruct((NR, D), jnp.float32),
    ),
    mesh=_mesh,
    compiler_params=pltpu.CompilerParams(needs_layout_passes=False),
    scratch_types=dict(
        deg=pltpu.VMEM_SHARED((NR, D), jnp.float32),
        hist=pltpu.VMEM((NR, D), jnp.float32),
        didxf=pltpu.VMEM((CPT * K,), jnp.int32),
        idb=pltpu.VMEM((NR,), jnp.int32),
        msem=pltpu.SemaphoreType.DMA,
    ),
)
def _hist_kernel(dst_hbm, degA_hbm, degB_hbm, *, deg, hist, didxf, idb, msem):
    c = lax.axis_index("c")
    s = lax.axis_index("s")
    wid = c * NS + s
    ebase = wid * CPT * K
    nvec = CPT * K // 16

    pltpu.sync_copy(dst_hbm.at[pl.ds(pl.multiple_of(ebase, 8), CPT * K)],
                    didxf)

    zero = jnp.zeros((16,), jnp.float32)
    ones = jnp.ones((16,), jnp.float32)
    lane = lax.iota(jnp.int32, 16)

    def fill_z(i, _):
        r = i // 8
        j = i % 8
        hist[r, pl.ds(j * 16, 16)] = zero
        return 0
    lax.fori_loop(0, NR * 8, fill_z, 0)

    def fill_id(k, _):
        idb[pl.ds(k * 16, 16)] = lane + k * 16
        return 0
    lax.fori_loop(0, NR // 16, fill_id, 0)

    def vec(i, _):
        idx = didxf[pl.ds(i * 16, 16)]
        hi = lax.shift_right_logical(idx, jnp.full((16,), 7, jnp.int32))
        lo = lax.bitwise_and(idx, jnp.full((16,), 127, jnp.int32))
        plsc.addupdate_scatter(hist, [hi, lo], ones)
        return 0
    lax.fori_loop(0, nvec, vec, 0)

    @pl.when(s == 0)
    def _():
        pltpu.sync_copy(hist, deg)
    plsc.subcore_barrier()

    @pl.when(s > 0)
    def _():
        pltpu.sync_copy(hist, deg.at[idb], add=True)
    plsc.subcore_barrier()

    @pl.when(s == 0)
    def _():
        @pl.when(c == 0)
        def _():
            pltpu.sync_copy(deg, degA_hbm)

        @pl.when(c == 1)
        def _():
            pltpu.sync_copy(deg, degB_hbm)


@functools.partial(
    pl.kernel,
    out_type=(
        jax.ShapeDtypeStruct((NP, D), jnp.float32),
        jax.ShapeDtypeStruct((NP, D), jnp.float32),
    ),
    mesh=_mesh,
    scratch_types=dict(
        acc=pltpu.VMEM_SHARED((NP, D), jnp.float32),
        rows0=pltpu.VMEM((K, D), jnp.float32),
        rows1=pltpu.VMEM((K, D), jnp.float32),
        sidx=pltpu.VMEM((HCH, K), jnp.int32),
        didx=pltpu.VMEM((HCH, K), jnp.int32),
        gsem0=pltpu.SemaphoreType.DMA,
        gsem1=pltpu.SemaphoreType.DMA,
        ssem0=pltpu.SemaphoreType.DMA,
        ssem1=pltpu.SemaphoreType.DMA,
        dsem0=pltpu.SemaphoreType.DMA,
        dsem1=pltpu.SemaphoreType.DMA,
    ),
)
def _scatter_kernel(g_hbm, src_hbm, dst_hbm, accA_hbm, accB_hbm, *,
                    acc, rows0, rows1, sidx, didx,
                    gsem0, gsem1, ssem0, ssem1, dsem0, dsem1):
    c = lax.axis_index("c")
    s = lax.axis_index("s")
    wid = c * NS + s
    cbase = wid * CPT
    row0 = s * RPW

    pltpu.sync_copy(g_hbm.at[pl.ds(row0, RPW)], acc.at[pl.ds(row0, RPW)])
    plsc.subcore_barrier()

    def pair(p, _):
        pltpu.async_copy(g_hbm.at[sidx.at[2 * p]], rows0, gsem0).wait()

        @pl.when(p > 0)
        def _():
            pltpu.make_async_copy(rows1, acc.at[didx.at[2 * p - 1]],
                                  ssem1).wait()

        s0 = pltpu.async_copy(rows0, acc.at[didx.at[2 * p]], ssem0, add=True)
        pltpu.async_copy(g_hbm.at[sidx.at[2 * p + 1]], rows1, gsem1).wait()
        s0.wait()
        pltpu.async_copy(rows1, acc.at[didx.at[2 * p + 1]], ssem1, add=True)
        return 0

    for h in range(2):
        if h > 0:
            pltpu.make_async_copy(rows1, acc.at[didx.at[HCH - 1]],
                                  ssem1).wait()
        pltpu.sync_copy(src_hbm.at[pl.ds(cbase + h * HCH, HCH)], sidx)
        pltpu.sync_copy(dst_hbm.at[pl.ds(cbase + h * HCH, HCH)], didx)
        lax.fori_loop(0, HCH // 2, pair, 0)
    pltpu.make_async_copy(rows1, acc.at[didx.at[HCH - 1]], ssem1).wait()

    plsc.subcore_barrier()

    @pl.when(c == 0)
    def _():
        pltpu.sync_copy(acc.at[pl.ds(row0, RPW)], accA_hbm.at[pl.ds(row0, RPW)])

    @pl.when(c == 1)
    def _():
        pltpu.sync_copy(acc.at[pl.ds(row0, RPW)], accB_hbm.at[pl.ds(row0, RPW)])


_MM_BLK = 1024
_BN_BLK = 1000


def _mm_body(x_ref, w_ref, da_ref, db_ref, g_ref):
    deg = da_ref[...] + db_ref[...] + 1.0
    h = jnp.dot(x_ref[...], w_ref[...], preferred_element_type=jnp.float32)
    g_ref[...] = h * lax.rsqrt(deg)


def _bn_body(a_ref, b_ref, g_ref, da_ref, db_ref, gam_ref, bet_ref, o_ref):
    deg = da_ref[...] + db_ref[...] + 1.0
    dis = lax.rsqrt(deg)
    z = (a_ref[...] + b_ref[...] - g_ref[...]) * dis
    mean = jnp.mean(z, axis=0, keepdims=True)
    zc = z - mean
    var = jnp.mean(zc * zc, axis=0, keepdims=True)
    y = zc * lax.rsqrt(var + EPS) * gam_ref[...] + bet_ref[...]
    o_ref[...] = jnp.maximum(y, 0.0)


def kernel(x, edge_index, W, b, gamma, beta):
    del b
    ei = edge_index.astype(jnp.int32)

    def padded(vec, total):
        pad = N + jnp.arange(total - E, dtype=jnp.int32) % (NP - N)
        return jnp.concatenate([vec, pad])

    dst_h = padded(ei[1], EP)
    src_s = padded(ei[0], EP).reshape(EP // K, K)
    dst_s = padded(ei[1], EP).reshape(EP // K, K)

    degA2, degB2 = _hist_kernel(dst_h)
    degA = degA2.reshape(NP, 1)
    degB = degB2.reshape(NP, 1)

    x_p = jnp.pad(x, ((0, NP - N), (0, 0)))
    g = pl.pallas_call(
        _mm_body,
        grid=(NP // _MM_BLK,),
        in_specs=[
            pl.BlockSpec((_MM_BLK, D), lambda i: (i, 0)),
            pl.BlockSpec((D, D), lambda i: (0, 0)),
            pl.BlockSpec((_MM_BLK, 1), lambda i: (i, 0)),
            pl.BlockSpec((_MM_BLK, 1), lambda i: (i, 0)),
        ],
        out_specs=pl.BlockSpec((_MM_BLK, D), lambda i: (i, 0)),
        out_shape=jax.ShapeDtypeStruct((NP, D), jnp.float32),
    )(x_p, W, degA, degB)

    accA, accB = _scatter_kernel(g, src_s, dst_s)

    out = pl.pallas_call(
        _bn_body,
        grid=(1,),
        in_specs=[
            pl.BlockSpec((N, D), lambda i: (0, 0)),
            pl.BlockSpec((N, D), lambda i: (0, 0)),
            pl.BlockSpec((N, D), lambda i: (0, 0)),
            pl.BlockSpec((N, 1), lambda i: (0, 0)),
            pl.BlockSpec((N, 1), lambda i: (0, 0)),
            pl.BlockSpec((1, D), lambda i: (0, 0)),
            pl.BlockSpec((1, D), lambda i: (0, 0)),
        ],
        out_specs=pl.BlockSpec((N, D), lambda i: (0, 0)),
        out_shape=jax.ShapeDtypeStruct((N, D), jnp.float32),
    )(accA, accB, g, degA, degB,
      gamma.reshape(1, D), beta.reshape(1, D))
    return out

# --- scband reference (transcript-rebuilt; emitter-appended) ---
"""Pipeline reference for scband-gcnblock-66932770341394 (READ-ONLY COPY).

The authoritative reference and input builder live on the scoring server;
editing this copy changes nothing except your own understanding.
"""

import jax, jax.numpy as jnp
import numpy as np

N_NODES = 10000
N_EDGES = 320000
D = 128
EPS = 1e-5

def setup_inputs(seed: int = 0) -> dict:
    key = jax.random.key(seed)
    k_x, k_e, k_w, k_b, k_g, k_bt = jax.random.split(key, 6)
    x = jax.random.normal(k_x, (N_NODES, D), dtype=jnp.float32)
    edge_index = jax.random.randint(k_e, (2, N_EDGES), 0, N_NODES)
    # GCNConv linear weight (glorot-ish) and bias
    W = jax.random.normal(k_w, (D, D), dtype=jnp.float32) * (1.0 / np.sqrt(D))
    b = jnp.zeros((D,), dtype=jnp.float32)
    # BatchNorm affine params
    gamma = jnp.ones((D,), dtype=jnp.float32)
    beta = jnp.zeros((D,), dtype=jnp.float32)
    return {"x": x, "edge_index": edge_index, "W": W, "b": b, "gamma": gamma, "beta": beta}

def reference(x, edge_index, W, b, gamma, beta):
    N = x.shape[0]
    src = edge_index[0]
    dst = edge_index[1]
    # add self-loops (A_tilde = A + I)
    loop = jnp.arange(N, dtype=src.dtype)
    src = jnp.concatenate([src, loop])
    dst = jnp.concatenate([dst, loop])
    # linear transform first (standard GCNConv order)
    h = x @ W
    # symmetric normalization D^{-1/2} A_tilde D^{-1/2}
    ones = jnp.ones(src.shape[0], dtype=jnp.float32)
    deg = jnp.zeros((N,), dtype=jnp.float32).at[dst].add(ones)
    deg_inv_sqrt = jnp.where(deg > 0, 1.0 / jnp.sqrt(deg), 0.0)
    norm = deg_inv_sqrt[src] * deg_inv_sqrt[dst]
    # gather messages from src, scale, scatter-add into dst
    msg = h[src] * norm[:, None]
    out = jnp.zeros((N, h.shape[1]), dtype=h.dtype).at[dst].add(msg)
    out = out + b
    # BatchNorm1d (training-mode batch statistics, biased variance)
    mean = jnp.mean(out, axis=0)
    var = jnp.mean((out - mean) ** 2, axis=0)
    out = (out - mean) / jnp.sqrt(var + EPS) * gamma + beta
    # ReLU
    out = jax.nn.relu(out)
    # Dropout: identity in eval / deterministic reference
    return out

if __name__ == "__main__":
    import jax
    _d = setup_inputs()
    print(jax.jit(kernel)(*tuple(_d.values())))

</pallas_src>

<mosaic_0001>
#map = affine_map<(d0, d1) -> (0, 0)>
module attributes {stable_mosaic.version = 14 : i64} {
  func.func @_scatter_kernel(%arg0: i32, %arg1: i32, %arg2: memref<10240x128xf32, #tpu.memory_space<hbm>>, %arg3: memref<2560x128xi32, #tpu.memory_space<hbm>>, %arg4: memref<2560x128xi32, #tpu.memory_space<hbm>>, %arg5: memref<10240x128xf32, #tpu.memory_space<hbm>>, %arg6: memref<10240x128xf32, #tpu.memory_space<hbm>>, %arg7: memref<10240x128xf32, #tpu.memory_space<vmem_shared>>, %arg8: memref<40x128xi32, #tpu.memory_space<vmem>>, %arg9: memref<!tpu.dma_semaphore, #tpu.memory_space<semaphore_mem>>, %arg10: memref<!tpu.dma_semaphore, #tpu.memory_space<semaphore_mem>>, %arg11: memref<!tpu.dma_semaphore, #tpu.memory_space<semaphore_mem>>, %arg12: memref<!tpu.dma_semaphore, #tpu.memory_space<semaphore_mem>>, %arg13: memref<128x128xf32, #tpu.memory_space<vmem>>, %arg14: memref<128x128xf32, #tpu.memory_space<vmem>>, %arg15: memref<40x128xi32, #tpu.memory_space<vmem>>, %arg16: memref<!tpu.dma_semaphore, #tpu.memory_space<semaphore_mem>>, %arg17: memref<!tpu.dma_semaphore, #tpu.memory_space<semaphore_mem>>) attributes {dimension_semantics = [#tpu.dimension_semantics<core_parallel>, #tpu.dimension_semantics<subcore_parallel>], iteration_bounds = array<i64: 2, 16>, scalar_prefetch = 0 : i64, scratch_operands = 11 : i64, tpu.core_type = #tpu.core_type<sc_vector_subcore>, window_params = [{transform_indices = #map}, {transform_indices = #map}, {transform_indices = #map}, {transform_indices = #map}, {transform_indices = #map}]} {
    %mul3A = arith.constant 16 : i32
    %mul3A_0 = arith.muli %arg0, %mul3A : i32
    %add3A = arith.addi %mul3A_0, %arg1 : i32
    %mul3A_1 = arith.constant 80 : i32
    %mul3A_2 = arith.muli %add3A, %mul3A_1 : i32
    %mul3A_3 = arith.constant 640 : i32
    %mul3A_4 = arith.muli %arg1, %mul3A_3 : i32
    "tpu.region"() ({
      %run_scoped3A = tpu.sem_alloc : memref<!tpu.dma_semaphore, #tpu.memory_space<semaphore_mem>>
      %dma_start3A = arith.constant 0 : i32
      %dma_start3A_47 = tpu.memref_slice %arg7[%mul3A_4, %dma_start3A] : memref<10240x128xf32, #tpu.memory_space<vmem_shared>> -> memref<640x128xf32, #tpu.memory_space<vmem_shared>>
      %dma_start3A_48 = arith.constant 0 : i32
      %dma_start3A_49 = tpu.memref_slice %arg2[%mul3A_4, %dma_start3A_48] : memref<10240x128xf32, #tpu.memory_space<hbm>> -> memref<640x128xf32, #tpu.memory_space<hbm>>
      tpu.enqueue_dma source(%dma_start3A_49 : memref<640x128xf32, #tpu.memory_space<hbm>>) target(%dma_start3A_47 : memref<640x128xf32, #tpu.memory_space<vmem_shared>>) target_semaphore(%run_scoped3A : memref<!tpu.dma_semaphore, #tpu.memory_space<semaphore_mem>>)
      %dma_wait3A_50 = arith.constant 0 : i32
      %dma_wait3A_51 = tpu.memref_slice %arg7[%mul3A_4, %dma_wait3A_50] : memref<10240x128xf32, #tpu.memory_space<vmem_shared>> -> memref<640x128xf32, #tpu.memory_space<vmem_shared>>
      %dma_wait3A_52 = arith.constant 0 : i32
      %dma_wait3A_53 = tpu.memref_slice %arg2[%mul3A_4, %dma_wait3A_52] : memref<10240x128xf32, #tpu.memory_space<hbm>> -> memref<640x128xf32, #tpu.memory_space<hbm>>
      tpu.wait_dma2 semaphore(%run_scoped3A : memref<!tpu.dma_semaphore, #tpu.memory_space<semaphore_mem>>) src(%dma_wait3A_53 : memref<640x128xf32, #tpu.memory_space<hbm>>) dst(%dma_wait3A_51 : memref<640x128xf32, #tpu.memory_space<vmem_shared>>)
      tpu.yield
    }) : () -> ()
    %barrier3A = arith.constant 0 : index
    tpu.barrier barrier_id(%barrier3A)
    %add3A_5 = arith.constant 0 : i32
    %add3A_6 = arith.addi %mul3A_2, %add3A_5 : i32
    "tpu.region"() ({
      %run_scoped3A = tpu.sem_alloc : memref<!tpu.dma_semaphore, #tpu.memory_space<semaphore_mem>>
      %dma_start3A = arith.constant 0 : i32
      %dma_start3A_47 = tpu.memref_slice %arg3[%add3A_6, %dma_start3A] : memref<2560x128xi32, #tpu.memory_space<hbm>> -> memref<40x128xi32, #tpu.memory_space<hbm>>
      %dma_start3A_48 = arith.constant 0 : i32
      %dma_start3A_49 = tpu.memref_slice %arg3[%add3A_6, %dma_start3A_48] : memref<2560x128xi32, #tpu.memory_space<hbm>> -> memref<40x128xi32, #tpu.memory_space<hbm>>
      tpu.enqueue_dma source(%dma_start3A_49 : memref<40x128xi32, #tpu.memory_space<hbm>>) target(%arg15 : memref<40x128xi32, #tpu.memory_space<vmem>>) target_semaphore(%run_scoped3A : memref<!tpu.dma_semaphore, #tpu.memory_space<semaphore_mem>>)
      %dma_wait3A_50 = arith.constant 0 : i32
      %dma_wait3A_51 = tpu.memref_slice %arg3[%add3A_6, %dma_wait3A_50] : memref<2560x128xi32, #tpu.memory_space<hbm>> -> memref<40x128xi32, #tpu.memory_space<hbm>>
      %dma_wait3A_52 = arith.constant 0 : i32
      %dma_wait3A_53 = tpu.memref_slice %arg3[%add3A_6, %dma_wait3A_52] : memref<2560x128xi32, #tpu.memory_space<hbm>> -> memref<40x128xi32, #tpu.memory_space<hbm>>
      tpu.wait_dma2 semaphore(%run_scoped3A : memref<!tpu.dma_semaphore, #tpu.memory_space<semaphore_mem>>) src(%dma_wait3A_53 : memref<40x128xi32, #tpu.memory_space<hbm>>) dst(%arg15 : memref<40x128xi32, #tpu.memory_space<vmem>>)
      tpu.yield
    }) : () -> ()
    %add3A_7 = arith.constant 0 : i32
    %add3A_8 = arith.addi %mul3A_2, %add3A_7 : i32
    "tpu.region"() ({
      %run_scoped3A = tpu.sem_alloc : memref<!tpu.dma_semaphore, #tpu.memory_space<semaphore_mem>>
      %dma_start3A = arith.constant 0 : i32
      %dma_start3A_47 = tpu.memref_slice %arg4[%add3A_8, %dma_start3A] : memref<2560x128xi32, #tpu.memory_space<hbm>> -> memref<40x128xi32, #tpu.memory_space<hbm>>
      %dma_start3A_48 = arith.constant 0 : i32
      %dma_start3A_49 = tpu.memref_slice %arg4[%add3A_8, %dma_start3A_48] : memref<2560x128xi32, #tpu.memory_space<hbm>> -> memref<40x128xi32, #tpu.memory_space<hbm>>
      tpu.enqueue_dma source(%dma_start3A_49 : memref<40x128xi32, #tpu.memory_space<hbm>>) target(%arg8 : memref<40x128xi32, #tpu.memory_space<vmem>>) target_semaphore(%run_scoped3A : memref<!tpu.dma_semaphore, #tpu.memory_space<semaphore_mem>>)
      %dma_wait3A_50 = arith.constant 0 : i32
      %dma_wait3A_51 = tpu.memref_slice %arg4[%add3A_8, %dma_wait3A_50] : memref<2560x128xi32, #tpu.memory_space<hbm>> -> memref<40x128xi32, #tpu.memory_space<hbm>>
      %dma_wait3A_52 = arith.constant 0 : i32
      %dma_wait3A_53 = tpu.memref_slice %arg4[%add3A_8, %dma_wait3A_52] : memref<2560x128xi32, #tpu.memory_space<hbm>> -> memref<40x128xi32, #tpu.memory_space<hbm>>
      tpu.wait_dma2 semaphore(%run_scoped3A : memref<!tpu.dma_semaphore, #tpu.memory_space<semaphore_mem>>) src(%dma_wait3A_53 : memref<40x128xi32, #tpu.memory_space<hbm>>) dst(%arg8 : memref<40x128xi32, #tpu.memory_space<vmem>>)
      tpu.yield
    }) : () -> ()
    %scan3A = arith.constant 0 : i32
    %scan3A_9 = arith.constant 0 : i32
    %scan3A_10 = arith.constant 20 : i32
    %scan3A_11 = arith.addi %scan3A_9, %scan3A_10 : i32
    %scan3A_12 = arith.constant 1 : i32
    %scan3A_13 = scf.for %scan3A_47 = %scan3A_9 to %scan3A_11 step %scan3A_12 iter_args(%scan3A_48 = %scan3A) -> (i32)  : i32 {
      %mul3A_49 = arith.constant 2 : i32
      %mul3A_50 = arith.muli %mul3A_49, %scan3A_47 : i32
      %dma_start3A = arith.constant 0 : i32
      %dma_start3A_51 = tpu.memref_slice %arg15[%mul3A_50, %dma_start3A] : memref<40x128xi32, #tpu.memory_space<vmem>> -> memref<1x128xi32, #tpu.memory_space<vmem>>
      %dma_start3A_52 = tpu.memref_squeeze %dma_start3A_51 : memref<1x128xi32, #tpu.memory_space<vmem>> -> memref<128xi32, #tpu.memory_space<vmem>>
      %dma_start3A_53 = arith.constant 0 : i32
      %dma_start3A_54 = arith.constant 0 : i32
      %dma_start3A_55 = tpu.memref_slice %arg2[%dma_start3A_53, %dma_start3A_54] : memref<10240x128xf32, #tpu.memory_space<hbm>> -> memref<10240x128xf32, #tpu.memory_space<hbm>>
      tpu.enqueue_indirect_dma source(%dma_start3A_55 : memref<10240x128xf32, #tpu.memory_space<hbm>>) target(%arg13 : memref<128x128xf32, #tpu.memory_space<vmem>>) offsets(%dma_start3A_52 : memref<128xi32, #tpu.memory_space<vmem>>) semaphore(%arg11 : memref<!tpu.dma_semaphore, #tpu.memory_space<semaphore_mem>>)
      %dma_wait3A_56 = arith.constant 0 : i32
      %dma_wait3A_57 = tpu.memref_slice %arg15[%mul3A_50, %dma_wait3A_56] : memref<40x128xi32, #tpu.memory_space<vmem>> -> memref<1x128xi32, #tpu.memory_space<vmem>>
      %dma_wait3A_58 = tpu.memref_squeeze %dma_wait3A_57 : memref<1x128xi32, #tpu.memory_space<vmem>> -> memref<128xi32, #tpu.memory_space<vmem>>
      %dma_wait3A_59 = arith.constant 0 : i32
      %dma_wait3A_60 = arith.constant 0 : i32
      %dma_wait3A_61 = tpu.memref_slice %arg2[%dma_wait3A_59, %dma_wait3A_60] : memref<10240x128xf32, #tpu.memory_space<hbm>> -> memref<10240x128xf32, #tpu.memory_space<hbm>>
      tpu.wait_indirect_dma semaphore(%arg11 : memref<!tpu.dma_semaphore, #tpu.memory_space<semaphore_mem>>) src(%dma_wait3A_61 : memref<10240x128xf32, #tpu.memory_space<hbm>>) dst(%arg13 : memref<128x128xf32, #tpu.memory_space<vmem>>)
      %gt3A = arith.constant 0 : i32
      %gt3A_62 = arith.cmpi sgt, %scan3A_47, %gt3A : i32
      %convert_element_type3A_63 = arith.extui %gt3A_62 : i1 to i32
      %cond3A_64 = arith.constant 0 : i32
      %cond3A_65 = arith.cmpi ne, %convert_element_type3A_63, %cond3A_64 : i32
      scf.if %cond3A_65 {
        %mul3A_107 = arith.constant 2 : i32
        %mul3A_108 = arith.muli %mul3A_107, %scan3A_47 : i32
        %sub3A = arith.constant 1 : i32
        %sub3A_109 = arith.subi %mul3A_108, %sub3A : i32
        %dma_wait3A_110 = arith.constant 0 : i32
        %dma_wait3A_111 = tpu.memref_slice %arg8[%sub3A_109, %dma_wait3A_110] : memref<40x128xi32, #tpu.memory_space<vmem>> -> memref<1x128xi32, #tpu.memory_space<vmem>>
        %dma_wait3A_112 = tpu.memref_squeeze %dma_wait3A_111 : memref<1x128xi32, #tpu.memory_space<vmem>> -> memref<128xi32, #tpu.memory_space<vmem>>
        %dma_wait3A_113 = arith.constant 0 : i32
        %dma_wait3A_114 = arith.constant 0 : i32
        %dma_wait3A_115 = tpu.memref_slice %arg7[%dma_wait3A_113, %dma_wait3A_114] : memref<10240x128xf32, #tpu.memory_space<vmem_shared>> -> memref<10240x128xf32, #tpu.memory_space<vmem_shared>>
        tpu.wait_indirect_dma semaphore(%arg17 : memref<!tpu.dma_semaphore, #tpu.memory_space<semaphore_mem>>) src(%arg14 : memref<128x128xf32, #tpu.memory_space<vmem>>) dst(%dma_wait3A_115 : memref<10240x128xf32, #tpu.memory_space<vmem_shared>>)
      } else {
      }
      %mul3A_66 = arith.constant 2 : i32
      %mul3A_67 = arith.muli %mul3A_66, %scan3A_47 : i32
      %dma_start3A_68 = arith.constant 0 : i32
      %dma_start3A_69 = tpu.memref_slice %arg8[%mul3A_67, %dma_start3A_68] : memref<40x128xi32, #tpu.memory_space<vmem>> -> memref<1x128xi32, #tpu.memory_space<vmem>>
      %dma_start3A_70 = tpu.memref_squeeze %dma_start3A_69 : memref<1x128xi32, #tpu.memory_space<vmem>> -> memref<128xi32, #tpu.memory_space<vmem>>
      %dma_start3A_71 = arith.constant 0 : i32
      %dma_start3A_72 = arith.constant 0 : i32
      %dma_start3A_73 = tpu.memref_slice %arg7[%dma_start3A_71, %dma_start3A_72] : memref<10240x128xf32, #tpu.memory_space<vmem_shared>> -> memref<10240x128xf32, #tpu.memory_space<vmem_shared>>
      tpu.enqueue_indirect_dma source(%arg13 : memref<128x128xf32, #tpu.memory_space<vmem>>) target(%dma_start3A_73 : memref<10240x128xf32, #tpu.memory_space<vmem_shared>>) offsets(%dma_start3A_70 : memref<128xi32, #tpu.memory_space<vmem>>) semaphore(%arg16 : memref<!tpu.dma_semaphore, #tpu.memory_space<semaphore_mem>>) {add = true}
      %mul3A_74 = arith.constant 2 : i32
      %mul3A_75 = arith.muli %mul3A_74, %scan3A_47 : i32
      %add3A_76 = arith.constant 1 : i32
      %add3A_77 = arith.addi %mul3A_75, %add3A_76 : i32
      %dma_start3A_78 = arith.constant 0 : i32
      %dma_start3A_79 = tpu.memref_slice %arg15[%add3A_77, %dma_start3A_78] : memref<40x128xi32, #tpu.memory_space<vmem>> -> memref<1x128xi32, #tpu.memory_space<vmem>>
      %dma_start3A_80 = tpu.memref_squeeze %dma_start3A_79 : memref<1x128xi32, #tpu.memory_space<vmem>> -> memref<128xi32, #tpu.memory_space<vmem>>
      %dma_start3A_81 = arith.constant 0 : i32
      %dma_start3A_82 = arith.constant 0 : i32
      %dma_start3A_83 = tpu.memref_slice %arg2[%dma_start3A_81, %dma_start3A_82] : memref<10240x128xf32, #tpu.memory_space<hbm>> -> memref<10240x128xf32, #tpu.memory_space<hbm>>
      tpu.enqueue_indirect_dma source(%dma_start3A_83 : memref<10240x128xf32, #tpu.memory_space<hbm>>) target(%arg14 : memref<128x128xf32, #tpu.memory_space<vmem>>) offsets(%dma_start3A_80 : memref<128xi32, #tpu.memory_space<vmem>>) semaphore(%arg12 : memref<!tpu.dma_semaphore, #tpu.memory_space<semaphore_mem>>)
      %dma_wait3A_84 = arith.constant 0 : i32
      %dma_wait3A_85 = tpu.memref_slice %arg15[%add3A_77, %dma_wait3A_84] : memref<40x128xi32, #tpu.memory_space<vmem>> -> memref<1x128xi32, #tpu.memory_space<vmem>>
      %dma_wait3A_86 = tpu.memref_squeeze %dma_wait3A_85 : memref<1x128xi32, #tpu.memory_space<vmem>> -> memref<128xi32, #tpu.memory_space<vmem>>
      %dma_wait3A_87 = arith.constant 0 : i32
      %dma_wait3A_88 = arith.constant 0 : i32
      %dma_wait3A_89 = tpu.memref_slice %arg2[%dma_wait3A_87, %dma_wait3A_88] : memref<10240x128xf32, #tpu.memory_space<hbm>> -> memref<10240x128xf32, #tpu.memory_space<hbm>>
      tpu.wait_indirect_dma semaphore(%arg12 : memref<!tpu.dma_semaphore, #tpu.memory_space<semaphore_mem>>) src(%dma_wait3A_89 : memref<10240x128xf32, #tpu.memory_space<hbm>>) dst(%arg14 : memref<128x128xf32, #tpu.memory_space<vmem>>)
      %dma_wait3A_90 = arith.constant 0 : i32
      %dma_wait3A_91 = tpu.memref_slice %arg8[%mul3A_67, %dma_wait3A_90] : memref<40x128xi32, #tpu.memory_space<vmem>> -> memref<1x128xi32, #tpu.memory_space<vmem>>
      %dma_wait3A_92 = tpu.memref_squeeze %dma_wait3A_91 : memref<1x128xi32, #tpu.memory_space<vmem>> -> memref<128xi32, #tpu.memory_space<vmem>>
      %dma_wait3A_93 = arith.constant 0 : i32
      %dma_wait3A_94 = arith.constant 0 : i32
      %dma_wait3A_95 = tpu.memref_slice %arg7[%dma_wait3A_93, %dma_wait3A_94] : memref<10240x128xf32, #tpu.memory_space<vmem_shared>> -> memref<10240x128xf32, #tpu.memory_space<vmem_shared>>
      tpu.wait_indirect_dma semaphore(%arg16 : memref<!tpu.dma_semaphore, #tpu.memory_space<semaphore_mem>>) src(%arg13 : memref<128x128xf32, #tpu.memory_space<vmem>>) dst(%dma_wait3A_95 : memref<10240x128xf32, #tpu.memory_space<vmem_shared>>)
      %mul3A_96 = arith.constant 2 : i32
      %mul3A_97 = arith.muli %mul3A_96, %scan3A_47 : i32
      %add3A_98 = arith.constant 1 : i32
      %add3A_99 = arith.addi %mul3A_97, %add3A_98 : i32
      %dma_start3A_100 = arith.constant 0 : i32
      %dma_start3A_101 = tpu.memref_slice %arg8[%add3A_99, %dma_start3A_100] : memref<40x128xi32, #tpu.memory_space<vmem>> -> memref<1x128xi32, #tpu.memory_space<vmem>>
      %dma_start3A_102 = tpu.memref_squeeze %dma_start3A_101 : memref<1x128xi32, #tpu.memory_space<vmem>> -> memref<128xi32, #tpu.memory_space<vmem>>
      %dma_start3A_103 = arith.constant 0 : i32
      %dma_start3A_104 = arith.constant 0 : i32
      %dma_start3A_105 = tpu.memref_slice %arg7[%dma_start3A_103, %dma_start3A_104] : memref<10240x128xf32, #tpu.memory_space<vmem_shared>> -> memref<10240x128xf32, #tpu.memory_space<vmem_shared>>
      tpu.enqueue_indirect_dma source(%arg14 : memref<128x128xf32, #tpu.memory_space<vmem>>) target(%dma_start3A_105 : memref<10240x128xf32, #tpu.memory_space<vmem_shared>>) offsets(%dma_start3A_102 : memref<128xi32, #tpu.memory_space<vmem>>) semaphore(%arg17 : memref<!tpu.dma_semaphore, #tpu.memory_space<semaphore_mem>>) {add = true}
      %scan3A_106 = arith.constant 0 : i32
      scf.yield %scan3A_106 : i32
    }
    %scan3A_14 = arith.constant 20 : i32
    %dma_wait3A = arith.constant 39 : i32
    %dma_wait3A_15 = arith.constant 0 : i32
    %dma_wait3A_16 = tpu.memref_slice %arg8[%dma_wait3A, %dma_wait3A_15] : memref<40x128xi32, #tpu.memory_space<vmem>> -> memref<1x128xi32, #tpu.memory_space<vmem>>
    %dma_wait3A_17 = tpu.memref_squeeze %dma_wait3A_16 : memref<1x128xi32, #tpu.memory_space<vmem>> -> memref<128xi32, #tpu.memory_space<vmem>>
    %dma_wait3A_18 = arith.constant 0 : i32
    %dma_wait3A_19 = arith.constant 0 : i32
    %dma_wait3A_20 = tpu.memref_slice %arg7[%dma_wait3A_18, %dma_wait3A_19] : memref<10240x128xf32, #tpu.memory_space<vmem_shared>> -> memref<10240x128xf32, #tpu.memory_space<vmem_shared>>
    tpu.wait_indirect_dma semaphore(%arg17 : memref<!tpu.dma_semaphore, #tpu.memory_space<semaphore_mem>>) src(%arg14 : memref<128x128xf32, #tpu.memory_space<vmem>>) dst(%dma_wait3A_20 : memref<10240x128xf32, #tpu.memory_space<vmem_shared>>)
    %add3A_21 = arith.constant 40 : i32
    %add3A_22 = arith.addi %mul3A_2, %add3A_21 : i32
    "tpu.region"() ({
      %run_scoped3A = tpu.sem_alloc : memref<!tpu.dma_semaphore, #tpu.memory_space<semaphore_mem>>
      %dma_start3A = arith.constant 0 : i32
      %dma_start3A_47 = tpu.memref_slice %arg3[%add3A_22, %dma_start3A] : memref<2560x128xi32, #tpu.memory_space<hbm>> -> memref<40x128xi32, #tpu.memory_space<hbm>>
      %dma_start3A_48 = arith.constant 0 : i32
      %dma_start3A_49 = tpu.memref_slice %arg3[%add3A_22, %dma_start3A_48] : memref<2560x128xi32, #tpu.memory_space<hbm>> -> memref<40x128xi32, #tpu.memory_space<hbm>>
      tpu.enqueue_dma source(%dma_start3A_49 : memref<40x128xi32, #tpu.memory_space<hbm>>) target(%arg15 : memref<40x128xi32, #tpu.memory_space<vmem>>) target_semaphore(%run_scoped3A : memref<!tpu.dma_semaphore, #tpu.memory_space<semaphore_mem>>)
      %dma_wait3A_50 = arith.constant 0 : i32
      %dma_wait3A_51 = tpu.memref_slice %arg3[%add3A_22, %dma_wait3A_50] : memref<2560x128xi32, #tpu.memory_space<hbm>> -> memref<40x128xi32, #tpu.memory_space<hbm>>
      %dma_wait3A_52 = arith.constant 0 : i32
      %dma_wait3A_53 = tpu.memref_slice %arg3[%add3A_22, %dma_wait3A_52] : memref<2560x128xi32, #tpu.memory_space<hbm>> -> memref<40x128xi32, #tpu.memory_space<hbm>>
      tpu.wait_dma2 semaphore(%run_scoped3A : memref<!tpu.dma_semaphore, #tpu.memory_space<semaphore_mem>>) src(%dma_wait3A_53 : memref<40x128xi32, #tpu.memory_space<hbm>>) dst(%arg15 : memref<40x128xi32, #tpu.memory_space<vmem>>)
      tpu.yield
    }) : () -> ()
    %add3A_23 = arith.constant 40 : i32
    %add3A_24 = arith.addi %mul3A_2, %add3A_23 : i32
    "tpu.region"() ({
      %run_scoped3A = tpu.sem_alloc : memref<!tpu.dma_semaphore, #tpu.memory_space<semaphore_mem>>
      %dma_start3A = arith.constant 0 : i32
      %dma_start3A_47 = tpu.memref_slice %arg4[%add3A_24, %dma_start3A] : memref<2560x128xi32, #tpu.memory_space<hbm>> -> memref<40x128xi32, #tpu.memory_space<hbm>>
      %dma_start3A_48 = arith.constant 0 : i32
      %dma_start3A_49 = tpu.memref_slice %arg4[%add3A_24, %dma_start3A_48] : memref<2560x128xi32, #tpu.memory_space<hbm>> -> memref<40x128xi32, #tpu.memory_space<hbm>>
      tpu.enqueue_dma source(%dma_start3A_49 : memref<40x128xi32, #tpu.memory_space<hbm>>) target(%arg8 : memref<40x128xi32, #tpu.memory_space<vmem>>) target_semaphore(%run_scoped3A : memref<!tpu.dma_semaphore, #tpu.memory_space<semaphore_mem>>)
      %dma_wait3A_50 = arith.constant 0 : i32
      %dma_wait3A_51 = tpu.memref_slice %arg4[%add3A_24, %dma_wait3A_50] : memref<2560x128xi32, #tpu.memory_space<hbm>> -> memref<40x128xi32, #tpu.memory_space<hbm>>
      %dma_wait3A_52 = arith.constant 0 : i32
      %dma_wait3A_53 = tpu.memref_slice %arg4[%add3A_24, %dma_wait3A_52] : memref<2560x128xi32, #tpu.memory_space<hbm>> -> memref<40x128xi32, #tpu.memory_space<hbm>>
      tpu.wait_dma2 semaphore(%run_scoped3A : memref<!tpu.dma_semaphore, #tpu.memory_space<semaphore_mem>>) src(%dma_wait3A_53 : memref<40x128xi32, #tpu.memory_space<hbm>>) dst(%arg8 : memref<40x128xi32, #tpu.memory_space<vmem>>)
      tpu.yield
    }) : () -> ()
    %scan3A_25 = arith.constant 0 : i32
    %scan3A_26 = arith.constant 0 : i32
    %scan3A_27 = arith.constant 20 : i32
    %scan3A_28 = arith.addi %scan3A_26, %scan3A_27 : i32
    %scan3A_29 = arith.constant 1 : i32
    %scan3A_30 = scf.for %scan3A_47 = %scan3A_26 to %scan3A_28 step %scan3A_29 iter_args(%scan3A_48 = %scan3A_25) -> (i32)  : i32 {
      %mul3A_49 = arith.constant 2 : i32
      %mul3A_50 = arith.muli %mul3A_49, %scan3A_47 : i32
      %dma_start3A = arith.constant 0 : i32
      %dma_start3A_51 = tpu.memref_slice %arg15[%mul3A_50, %dma_start3A] : memref<40x128xi32, #tpu.memory_space<vmem>> -> memref<1x128xi32, #tpu.memory_space<vmem>>
      %dma_start3A_52 = tpu.memref_squeeze %dma_start3A_51 : memref<1x128xi32, #tpu.memory_space<vmem>> -> memref<128xi32, #tpu.memory_space<vmem>>
      %dma_start3A_53 = arith.constant 0 : i32
      %dma_start3A_54 = arith.constant 0 : i32
      %dma_start3A_55 = tpu.memref_slice %arg2[%dma_start3A_53, %dma_start3A_54] : memref<10240x128xf32, #tpu.memory_space<hbm>> -> memref<10240x128xf32, #tpu.memory_space<hbm>>
      tpu.enqueue_indirect_dma source(%dma_start3A_55 : memref<10240x128xf32, #tpu.memory_space<hbm>>) target(%arg13 : memref<128x128xf32, #tpu.memory_space<vmem>>) offsets(%dma_start3A_52 : memref<128xi32, #tpu.memory_space<vmem>>) semaphore(%arg11 : memref<!tpu.dma_semaphore, #tpu.memory_space<semaphore_mem>>)
      %dma_wait3A_56 = arith.constant 0 : i32
      %dma_wait3A_57 = tpu.memref_slice %arg15[%mul3A_50, %dma_wait3A_56] : memref<40x128xi32, #tpu.memory_space<vmem>> -> memref<1x128xi32, #tpu.memory_space<vmem>>
      %dma_wait3A_58 = tpu.memref_squeeze %dma_wait3A_57 : memref<1x128xi32, #tpu.memory_space<vmem>> -> memref<128xi32, #tpu.memory_space<vmem>>
      %dma_wait3A_59 = arith.constant 0 : i32
      %dma_wait3A_60 = arith.constant 0 : i32
      %dma_wait3A_61 = tpu.memref_slice %arg2[%dma_wait3A_59, %dma_wait3A_60] : memref<10240x128xf32, #tpu.memory_space<hbm>> -> memref<10240x128xf32, #tpu.memory_space<hbm>>
      tpu.wait_indirect_dma semaphore(%arg11 : memref<!tpu.dma_semaphore, #tpu.memory_space<semaphore_mem>>) src(%dma_wait3A_61 : memref<10240x128xf32, #tpu.memory_space<hbm>>) dst(%arg13 : memref<128x128xf32, #tpu.memory_space<vmem>>)
      %gt3A = arith.constant 0 : i32
      %gt3A_62 = arith.cmpi sgt, %scan3A_47, %gt3A : i32
      %convert_element_type3A_63 = arith.extui %gt3A_62 : i1 to i32
      %cond3A_64 = arith.constant 0 : i32
      %cond3A_65 = arith.cmpi ne, %convert_element_type3A_63, %cond3A_64 : i32
      scf.if %cond3A_65 {
        %mul3A_107 = arith.constant 2 : i32
        %mul3A_108 = arith.muli %mul3A_107, %scan3A_47 : i32
        %sub3A = arith.constant 1 : i32
        %sub3A_109 = arith.subi %mul3A_108, %sub3A : i32
        %dma_wait3A_110 = arith.constant 0 : i32
        %dma_wait3A_111 = tpu.memref_slice %arg8[%sub3A_109, %dma_wait3A_110] : memref<40x128xi32, #tpu.memory_space<vmem>> -> memref<1x128xi32, #tpu.memory_space<vmem>>
        %dma_wait3A_112 = tpu.memref_squeeze %dma_wait3A_111 : memref<1x128xi32, #tpu.memory_space<vmem>> -> memref<128xi32, #tpu.memory_space<vmem>>
        %dma_wait3A_113 = arith.constant 0 : i32
        %dma_wait3A_114 = arith.constant 0 : i32
        %dma_wait3A_115 = tpu.memref_slice %arg7[%dma_wait3A_113, %dma_wait3A_114] : memref<10240x128xf32, #tpu.memory_space<vmem_shared>> -> memref<10240x128xf32, #tpu.memory_space<vmem_shared>>
        tpu.wait_indirect_dma semaphore(%arg17 : memref<!tpu.dma_semaphore, #tpu.memory_space<semaphore_mem>>) src(%arg14 : memref<128x128xf32, #tpu.memory_space<vmem>>) dst(%dma_wait3A_115 : memref<10240x128xf32, #tpu.memory_space<vmem_shared>>)
      } else {
      }
      %mul3A_66 = arith.constant 2 : i32
      %mul3A_67 = arith.muli %mul3A_66, %scan3A_47 : i32
      %dma_start3A_68 = arith.constant 0 : i32
      %dma_start3A_69 = tpu.memref_slice %arg8[%mul3A_67, %dma_start3A_68] : memref<40x128xi32, #tpu.memory_space<vmem>> -> memref<1x128xi32, #tpu.memory_space<vmem>>
      %dma_start3A_70 = tpu.memref_squeeze %dma_start3A_69 : memref<1x128xi32, #tpu.memory_space<vmem>> -> memref<128xi32, #tpu.memory_space<vmem>>
      %dma_start3A_71 = arith.constant 0 : i32
      %dma_start3A_72 = arith.constant 0 : i32
      %dma_start3A_73 = tpu.memref_slice %arg7[%dma_start3A_71, %dma_start3A_72] : memref<10240x128xf32, #tpu.memory_space<vmem_shared>> -> memref<10240x128xf32, #tpu.memory_space<vmem_shared>>
      tpu.enqueue_indirect_dma source(%arg13 : memref<128x128xf32, #tpu.memory_space<vmem>>) target(%dma_start3A_73 : memref<10240x128xf32, #tpu.memory_space<vmem_shared>>) offsets(%dma_start3A_70 : memref<128xi32, #tpu.memory_space<vmem>>) semaphore(%arg16 : memref<!tpu.dma_semaphore, #tpu.memory_space<semaphore_mem>>) {add = true}
      %mul3A_74 = arith.constant 2 : i32
      %mul3A_75 = arith.muli %mul3A_74, %scan3A_47 : i32
      %add3A_76 = arith.constant 1 : i32
      %add3A_77 = arith.addi %mul3A_75, %add3A_76 : i32
      %dma_start3A_78 = arith.constant 0 : i32
      %dma_start3A_79 = tpu.memref_slice %arg15[%add3A_77, %dma_start3A_78] : memref<40x128xi32, #tpu.memory_space<vmem>> -> memref<1x128xi32, #tpu.memory_space<vmem>>
      %dma_start3A_80 = tpu.memref_squeeze %dma_start3A_79 : memref<1x128xi32, #tpu.memory_space<vmem>> -> memref<128xi32, #tpu.memory_space<vmem>>
      %dma_start3A_81 = arith.constant 0 : i32
      %dma_start3A_82 = arith.constant 0 : i32
      %dma_start3A_83 = tpu.memref_slice %arg2[%dma_start3A_81, %dma_start3A_82] : memref<10240x128xf32, #tpu.memory_space<hbm>> -> memref<10240x128xf32, #tpu.memory_space<hbm>>
      tpu.enqueue_indirect_dma source(%dma_start3A_83 : memref<10240x128xf32, #tpu.memory_space<hbm>>) target(%arg14 : memref<128x128xf32, #tpu.memory_space<vmem>>) offsets(%dma_start3A_80 : memref<128xi32, #tpu.memory_space<vmem>>) semaphore(%arg12 : memref<!tpu.dma_semaphore, #tpu.memory_space<semaphore_mem>>)
      %dma_wait3A_84 = arith.constant 0 : i32
      %dma_wait3A_85 = tpu.memref_slice %arg15[%add3A_77, %dma_wait3A_84] : memref<40x128xi32, #tpu.memory_space<vmem>> -> memref<1x128xi32, #tpu.memory_space<vmem>>
      %dma_wait3A_86 = tpu.memref_squeeze %dma_wait3A_85 : memref<1x128xi32, #tpu.memory_space<vmem>> -> memref<128xi32, #tpu.memory_space<vmem>>
      %dma_wait3A_87 = arith.constant 0 : i32
      %dma_wait3A_88 = arith.constant 0 : i32
      %dma_wait3A_89 = tpu.memref_slice %arg2[%dma_wait3A_87, %dma_wait3A_88] : memref<10240x128xf32, #tpu.memory_space<hbm>> -> memref<10240x128xf32, #tpu.memory_space<hbm>>
      tpu.wait_indirect_dma semaphore(%arg12 : memref<!tpu.dma_semaphore, #tpu.memory_space<semaphore_mem>>) src(%dma_wait3A_89 : memref<10240x128xf32, #tpu.memory_space<hbm>>) dst(%arg14 : memref<128x128xf32, #tpu.memory_space<vmem>>)
      %dma_wait3A_90 = arith.constant 0 : i32
      %dma_wait3A_91 = tpu.memref_slice %arg8[%mul3A_67, %dma_wait3A_90] : memref<40x128xi32, #tpu.memory_space<vmem>> -> memref<1x128xi32, #tpu.memory_space<vmem>>
      %dma_wait3A_92 = tpu.memref_squeeze %dma_wait3A_91 : memref<1x128xi32, #tpu.memory_space<vmem>> -> memref<128xi32, #tpu.memory_space<vmem>>
      %dma_wait3A_93 = arith.constant 0 : i32
      %dma_wait3A_94 = arith.constant 0 : i32
      %dma_wait3A_95 = tpu.memref_slice %arg7[%dma_wait3A_93, %dma_wait3A_94] : memref<10240x128xf32, #tpu.memory_space<vmem_shared>> -> memref<10240x128xf32, #tpu.memory_space<vmem_shared>>
      tpu.wait_indirect_dma semaphore(%arg16 : memref<!tpu.dma_semaphore, #tpu.memory_space<semaphore_mem>>) src(%arg13 : memref<128x128xf32, #tpu.memory_space<vmem>>) dst(%dma_wait3A_95 : memref<10240x128xf32, #tpu.memory_space<vmem_shared>>)
      %mul3A_96 = arith.constant 2 : i32
      %mul3A_97 = arith.muli %mul3A_96, %scan3A_47 : i32
      %add3A_98 = arith.constant 1 : i32
      %add3A_99 = arith.addi %mul3A_97, %add3A_98 : i32
      %dma_start3A_100 = arith.constant 0 : i32
      %dma_start3A_101 = tpu.memref_slice %arg8[%add3A_99, %dma_start3A_100] : memref<40x128xi32, #tpu.memory_space<vmem>> -> memref<1x128xi32, #tpu.memory_space<vmem>>
      %dma_start3A_102 = tpu.memref_squeeze %dma_start3A_101 : memref<1x128xi32, #tpu.memory_space<vmem>> -> memref<128xi32, #tpu.memory_space<vmem>>
      %dma_start3A_103 = arith.constant 0 : i32
      %dma_start3A_104 = arith.constant 0 : i32
      %dma_start3A_105 = tpu.memref_slice %arg7[%dma_start3A_103, %dma_start3A_104] : memref<10240x128xf32, #tpu.memory_space<vmem_shared>> -> memref<10240x128xf32, #tpu.memory_space<vmem_shared>>
      tpu.enqueue_indirect_dma source(%arg14 : memref<128x128xf32, #tpu.memory_space<vmem>>) target(%dma_start3A_105 : memref<10240x128xf32, #tpu.memory_space<vmem_shared>>) offsets(%dma_start3A_102 : memref<128xi32, #tpu.memory_space<vmem>>) semaphore(%arg17 : memref<!tpu.dma_semaphore, #tpu.memory_space<semaphore_mem>>) {add = true}
      %scan3A_106 = arith.constant 0 : i32
      scf.yield %scan3A_106 : i32
    }
    %scan3A_31 = arith.constant 20 : i32
    %dma_wait3A_32 = arith.constant 39 : i32
    %dma_wait3A_33 = arith.constant 0 : i32
    %dma_wait3A_34 = tpu.memref_slice %arg8[%dma_wait3A_32, %dma_wait3A_33] : memref<40x128xi32, #tpu.memory_space<vmem>> -> memref<1x128xi32, #tpu.memory_space<vmem>>
    %dma_wait3A_35 = tpu.memref_squeeze %dma_wait3A_34 : memref<1x128xi32, #tpu.memory_space<vmem>> -> memref<128xi32, #tpu.memory_space<vmem>>
    %dma_wait3A_36 = arith.constant 0 : i32
    %dma_wait3A_37 = arith.constant 0 : i32
    %dma_wait3A_38 = tpu.memref_slice %arg7[%dma_wait3A_36, %dma_wait3A_37] : memref<10240x128xf32, #tpu.memory_space<vmem_shared>> -> memref<10240x128xf32, #tpu.memory_space<vmem_shared>>
    tpu.wait_indirect_dma semaphore(%arg17 : memref<!tpu.dma_semaphore, #tpu.memory_space<semaphore_mem>>) src(%arg14 : memref<128x128xf32, #tpu.memory_space<vmem>>) dst(%dma_wait3A_38 : memref<10240x128xf32, #tpu.memory_space<vmem_shared>>)
    %barrier3A_39 = arith.constant 0 : index
    tpu.barrier barrier_id(%barrier3A_39)
    %eq3A = arith.constant 0 : i32
    %eq3A_40 = arith.cmpi eq, %arg0, %eq3A : i32
    %convert_element_type3A = arith.extui %eq3A_40 : i1 to i32
    %cond3A = arith.constant 0 : i32
    %cond3A_41 = arith.cmpi ne, %convert_element_type3A, %cond3A : i32
    scf.if %cond3A_41 {
      "tpu.region"() ({
        %run_scoped3A = tpu.sem_alloc : memref<!tpu.dma_semaphore, #tpu.memory_space<semaphore_mem>>
        %dma_start3A = arith.constant 0 : i32
        %dma_start3A_47 = tpu.memref_slice %arg5[%mul3A_4, %dma_start3A] : memref<10240x128xf32, #tpu.memory_space<hbm>> -> memref<640x128xf32, #tpu.memory_space<hbm>>
        %dma_start3A_48 = arith.constant 0 : i32
        %dma_start3A_49 = tpu.memref_slice %arg7[%mul3A_4, %dma_start3A_48] : memref<10240x128xf32, #tpu.memory_space<vmem_shared>> -> memref<640x128xf32, #tpu.memory_space<vmem_shared>>
        tpu.enqueue_dma source(%dma_start3A_49 : memref<640x128xf32, #tpu.memory_space<vmem_shared>>) target(%dma_start3A_47 : memref<640x128xf32, #tpu.memory_space<hbm>>) target_semaphore(%run_scoped3A : memref<!tpu.dma_semaphore, #tpu.memory_space<semaphore_mem>>)
        %dma_wait3A_50 = arith.constant 0 : i32
        %dma_wait3A_51 = tpu.memref_slice %arg5[%mul3A_4, %dma_wait3A_50] : memref<10240x128xf32, #tpu.memory_space<hbm>> -> memref<640x128xf32, #tpu.memory_space<hbm>>
        %dma_wait3A_52 = arith.constant 0 : i32
        %dma_wait3A_53 = tpu.memref_slice %arg7[%mul3A_4, %dma_wait3A_52] : memref<10240x128xf32, #tpu.memory_space<vmem_shared>> -> memref<640x128xf32, #tpu.memory_space<vmem_shared>>
        tpu.wait_dma2 semaphore(%run_scoped3A : memref<!tpu.dma_semaphore, #tpu.memory_space<semaphore_mem>>) src(%dma_wait3A_53 : memref<640x128xf32, #tpu.memory_space<vmem_shared>>) dst(%dma_wait3A_51 : memref<640x128xf32, #tpu.memory_space<hbm>>)
        tpu.yield
      }) : () -> ()
    } else {
    }
    %eq3A_42 = arith.constant 1 : i32
    %eq3A_43 = arith.cmpi eq, %arg0, %eq3A_42 : i32
    %convert_element_type3A_44 = arith.extui %eq3A_43 : i1 to i32
    %cond3A_45 = arith.constant 0 : i32
    %cond3A_46 = arith.cmpi ne, %convert_element_type3A_44, %cond3A_45 : i32
    scf.if %cond3A_46 {
      "tpu.region"() ({
        %run_scoped3A = tpu.sem_alloc : memref<!tpu.dma_semaphore, #tpu.memory_space<semaphore_mem>>
        %dma_start3A = arith.constant 0 : i32
        %dma_start3A_47 = tpu.memref_slice %arg6[%mul3A_4, %dma_start3A] : memref<10240x128xf32, #tpu.memory_space<hbm>> -> memref<640x128xf32, #tpu.memory_space<hbm>>
        %dma_start3A_48 = arith.constant 0 : i32
        %dma_start3A_49 = tpu.memref_slice %arg7[%mul3A_4, %dma_start3A_48] : memref<10240x128xf32, #tpu.memory_space<vmem_shared>> -> memref<640x128xf32, #tpu.memory_space<vmem_shared>>
        tpu.enqueue_dma source(%dma_start3A_49 : memref<640x128xf32, #tpu.memory_space<vmem_shared>>) target(%dma_start3A_47 : memref<640x128xf32, #tpu.memory_space<hbm>>) target_semaphore(%run_scoped3A : memref<!tpu.dma_semaphore, #tpu.memory_space<semaphore_mem>>)
        %dma_wait3A_50 = arith.constant 0 : i32
        %dma_wait3A_51 = tpu.memref_slice %arg6[%mul3A_4, %dma_wait3A_50] : memref<10240x128xf32, #tpu.memory_space<hbm>> -> memref<640x128xf32, #tpu.memory_space<hbm>>
        %dma_wait3A_52 = arith.constant 0 : i32
        %dma_wait3A_53 = tpu.memref_slice %arg7[%mul3A_4, %dma_wait3A_52] : memref<10240x128xf32, #tpu.memory_space<vmem_shared>> -> memref<640x128xf32, #tpu.memory_space<vmem_shared>>
        tpu.wait_dma2 semaphore(%run_scoped3A : memref<!tpu.dma_semaphore, #tpu.memory_space<semaphore_mem>>) src(%dma_wait3A_53 : memref<640x128xf32, #tpu.memory_space<vmem_shared>>) dst(%dma_wait3A_51 : memref<640x128xf32, #tpu.memory_space<hbm>>)
        tpu.yield
      }) : () -> ()
    } else {
    }
    return
  }
}

#map = affine_map<(d0, d1) -> (0)>
#map1 = affine_map<(d0, d1) -> (0, 0)>
module attributes {stable_mosaic.version = 14 : i64} {
  func.func @_hist_kernel(%arg0: i32, %arg1: i32, %arg2: memref<327680xi32, #tpu.memory_space<hbm>>, %arg3: memref<80x128xf32, #tpu.memory_space<hbm>>, %arg4: memref<80x128xf32, #tpu.memory_space<hbm>>, %arg5: memref<80x128xf32, #tpu.memory_space<vmem_shared>>, %arg6: memref<10240xi32, #tpu.memory_space<vmem>>, %arg7: memref<80x128xf32, #tpu.memory_space<vmem>>, %arg8: memref<80xi32, #tpu.memory_space<vmem>>, %arg9: memref<!tpu.dma_semaphore, #tpu.memory_space<semaphore_mem>>) attributes {dimension_semantics = [#tpu.dimension_semantics<core_parallel>, #tpu.dimension_semantics<subcore_parallel>], iteration_bounds = array<i64: 2, 16>, scalar_prefetch = 0 : i64, scratch_operands = 5 : i64, tpu.core_type = #tpu.core_type<sc_vector_subcore>, window_params = [{transform_indices = #map}, {transform_indices = #map1}, {transform_indices = #map1}]} {
    %mul3A = arith.constant 16 : i32
    %mul3A_0 = arith.muli %arg0, %mul3A : i32
    %add3A = arith.addi %mul3A_0, %arg1 : i32
    %mul3A_1 = arith.constant 80 : i32
    %mul3A_2 = arith.muli %add3A, %mul3A_1 : i32
    %mul3A_3 = arith.constant 128 : i32
    %mul3A_4 = arith.muli %mul3A_2, %mul3A_3 : i32
    %multiple_of3A = tpu.assume_multiple %mul3A_4, 8 : i32
    "tpu.region"() ({
      %run_scoped3A = tpu.sem_alloc : memref<!tpu.dma_semaphore, #tpu.memory_space<semaphore_mem>>
      %dma_start3A = tpu.memref_slice %arg2[%multiple_of3A] : memref<327680xi32, #tpu.memory_space<hbm>> -> memref<10240xi32, #tpu.memory_space<hbm>>
      %dma_start3A_40 = tpu.memref_slice %arg2[%multiple_of3A] : memref<327680xi32, #tpu.memory_space<hbm>> -> memref<10240xi32, #tpu.memory_space<hbm>>
      tpu.enqueue_dma source(%dma_start3A_40 : memref<10240xi32, #tpu.memory_space<hbm>>) target(%arg6 : memref<10240xi32, #tpu.memory_space<vmem>>) target_semaphore(%run_scoped3A : memref<!tpu.dma_semaphore, #tpu.memory_space<semaphore_mem>>)
      %dma_wait3A = tpu.memref_slice %arg2[%multiple_of3A] : memref<327680xi32, #tpu.memory_space<hbm>> -> memref<10240xi32, #tpu.memory_space<hbm>>
      %dma_wait3A_41 = tpu.memref_slice %arg2[%multiple_of3A] : memref<327680xi32, #tpu.memory_space<hbm>> -> memref<10240xi32, #tpu.memory_space<hbm>>
      tpu.wait_dma2 semaphore(%run_scoped3A : memref<!tpu.dma_semaphore, #tpu.memory_space<semaphore_mem>>) src(%dma_wait3A_41 : memref<10240xi32, #tpu.memory_space<hbm>>) dst(%arg6 : memref<10240xi32, #tpu.memory_space<vmem>>)
      tpu.yield
    }) : () -> ()
    %broadcast_in_dim3A = arith.constant 0.000000e+00 : f32
    %broadcast_in_dim3A_5 = vector.broadcast %broadcast_in_dim3A : f32 to vector<16xf32>
    %broadcast_in_dim3A_6 = arith.constant 1.000000e+00 : f32
    %broadcast_in_dim3A_7 = vector.broadcast %broadcast_in_dim3A_6 : f32 to vector<16xf32>
    %iota3A = tpu.iota {dimensions = array<i32: 0>} : vector<16xi32>
    %scan3A = arith.constant 0 : i32
    %scan3A_8 = arith.constant 0 : i32
    %scan3A_9 = arith.constant 640 : i32
    %scan3A_10 = arith.addi %scan3A_8, %scan3A_9 : i32
    %scan3A_11 = arith.constant 1 : i32
    %scan3A_12 = scf.for %scan3A_40 = %scan3A_8 to %scan3A_10 step %scan3A_11 iter_args(%scan3A_41 = %scan3A) -> (i32)  : i32 {
      %jit3A = arith.constant 8 : i32
      %div3A = arith.divsi %scan3A_40, %jit3A : i32
      %sign3A = arith.constant 0 : i32
      %sign3A_42 = arith.cmpi sgt, %scan3A_40, %sign3A : i32
      %sign3A_43 = arith.extui %sign3A_42 : i1 to i32
      %sign3A_44 = arith.constant 0 : i32
      %sign3A_45 = arith.cmpi slt, %scan3A_40, %sign3A_44 : i32
      %sign3A_46 = arith.extui %sign3A_45 : i1 to i32
      %sign3A_47 = arith.subi %sign3A_43, %sign3A_46 : i32
      %sign3A_48 = arith.constant 0 : i32
      %sign3A_49 = arith.cmpi sgt, %jit3A, %sign3A_48 : i32
      %sign3A_50 = arith.extui %sign3A_49 : i1 to i32
      %sign3A_51 = arith.constant 0 : i32
      %sign3A_52 = arith.cmpi slt, %jit3A, %sign3A_51 : i32
      %sign3A_53 = arith.extui %sign3A_52 : i1 to i32
      %sign3A_54 = arith.subi %sign3A_50, %sign3A_53 : i32
      %ne3A = arith.cmpi ne, %sign3A_47, %sign3A_54 : i32
      %rem3A = arith.remsi %scan3A_40, %jit3A : i32
      %ne3A_55 = arith.constant 0 : i32
      %ne3A_56 = arith.cmpi ne, %rem3A, %ne3A_55 : i32
      %and3A = arith.andi %ne3A, %ne3A_56 : i1
      %sub3A = arith.constant 1 : i32
      %sub3A_57 = arith.subi %div3A, %sub3A : i32
      %select_n3A = arith.select %and3A, %sub3A_57, %div3A : i32
      %jit3A_58 = arith.constant 8 : i32
      %eq3A_59 = arith.constant 0 : i32
      %eq3A_60 = arith.cmpi eq, %jit3A_58, %eq3A_59 : i32
      %jit3A_61 = arith.constant 1 : i32
      %select_n3A_62 = arith.select %eq3A_60, %jit3A_61, %jit3A_58 : i32
      %rem3A_63 = arith.remsi %scan3A_40, %select_n3A_62 : i32
      %ne3A_64 = arith.constant 0 : i32
      %ne3A_65 = arith.cmpi ne, %rem3A_63, %ne3A_64 : i32
      %lt3A = arith.constant 0 : i32
      %lt3A_66 = arith.cmpi slt, %rem3A_63, %lt3A : i32
      %lt3A_67 = arith.constant 0 : i32
      %lt3A_68 = arith.cmpi slt, %select_n3A_62, %lt3A_67 : i32
      %ne3A_69 = arith.xori %lt3A_66, %lt3A_68 : i1
      %and3A_70 = arith.andi %ne3A_69, %ne3A_65 : i1
      %add3A_71 = arith.addi %rem3A_63, %select_n3A_62 : i32
      %select_n3A_72 = arith.select %and3A_70, %add3A_71, %rem3A_63 : i32
      %mul3A_73 = arith.constant 16 : i32
      %mul3A_74 = arith.muli %select_n3A_72, %mul3A_73 : i32
      %swap3A = arith.index_cast %select_n3A : i32 to index
      %swap3A_75 = arith.index_cast %mul3A_74 : i32 to index
      %swap3A_76 = tpu.vector_load %arg7[%swap3A, %swap3A_75] {strides = array<i32>} : memref<80x128xf32, #tpu.memory_space<vmem>>, vector<16xf32>,
      tpu.vector_store %arg7[%swap3A, %swap3A_75], %broadcast_in_dim3A_5 {strides = array<i32>} : memref<80x128xf32, #tpu.memory_space<vmem>>, vector<16xf32>,
      %scan3A_77 = arith.constant 0 : i32
      scf.yield %scan3A_77 : i32
    }
    %scan3A_13 = arith.constant 640 : i32
    %scan3A_14 = arith.constant 0 : i32
    %scan3A_15 = arith.constant 0 : i32
    %scan3A_16 = arith.constant 5 : i32
    %scan3A_17 = arith.addi %scan3A_15, %scan3A_16 : i32
    %scan3A_18 = arith.constant 1 : i32
    %scan3A_19 = scf.for %scan3A_40 = %scan3A_15 to %scan3A_17 step %scan3A_18 iter_args(%scan3A_41 = %scan3A_14) -> (i32)  : i32 {
      %mul3A_42 = arith.constant 16 : i32
      %mul3A_43 = arith.muli %scan3A_40, %mul3A_42 : i32
      %add3A_44 = vector.broadcast %mul3A_43 : i32 to vector<16xi32>
      %add3A_45 = arith.addi %iota3A, %add3A_44 : vector<16xi32>
      %mul3A_46 = arith.constant 16 : i32
      %mul3A_47 = arith.muli %scan3A_40, %mul3A_46 : i32
      %swap3A = arith.index_cast %mul3A_47 : i32 to index
      %swap3A_48 = tpu.vector_load %arg8[%swap3A] {strides = array<i32>} : memref<80xi32, #tpu.memory_space<vmem>>, vector<16xi32>,
      tpu.vector_store %arg8[%swap3A], %add3A_45 {strides = array<i32>} : memref<80xi32, #tpu.memory_space<vmem>>, vector<16xi32>,
      %scan3A_49 = arith.constant 0 : i32
      scf.yield %scan3A_49 : i32
    }
    %scan3A_20 = arith.constant 5 : i32
    %scan3A_21 = arith.constant 0 : i32
    %scan3A_22 = arith.constant 0 : i32
    %scan3A_23 = arith.constant 640 : i32
    %scan3A_24 = arith.addi %scan3A_22, %scan3A_23 : i32
    %scan3A_25 = arith.constant 1 : i32
    %scan3A_26 = scf.for %scan3A_40 = %scan3A_22 to %scan3A_24 step %scan3A_25 iter_args(%scan3A_41 = %scan3A_21) -> (i32)  : i32 {
      %mul3A_42 = arith.constant 16 : i32
      %mul3A_43 = arith.muli %scan3A_40, %mul3A_42 : i32
      %get3A = arith.index_cast %mul3A_43 : i32 to index
      %get3A_44 = tpu.vector_load %arg6[%get3A] {strides = array<i32>} : memref<10240xi32, #tpu.memory_space<vmem>>, vector<16xi32>,
      %broadcast_in_dim3A_45 = arith.constant 7 : i32
      %broadcast_in_dim3A_46 = vector.broadcast %broadcast_in_dim3A_45 : i32 to vector<16xi32>
      %shift_right_logical3A = arith.shrui %get3A_44, %broadcast_in_dim3A_46 : vector<16xi32>
      %broadcast_in_dim3A_47 = arith.constant 127 : i32
      %broadcast_in_dim3A_48 = vector.broadcast %broadcast_in_dim3A_47 : i32 to vector<16xi32>
      %and3A = arith.andi %get3A_44, %broadcast_in_dim3A_48 : vector<16xi32>
      tpu.vector_store_idx %arg7[%shift_right_logical3A, %and3A], %broadcast_in_dim3A_7 {add = true} : memref<80x128xf32, #tpu.memory_space<vmem>>[vector<16xi32>, vector<16xi32>], vector<16xf32>,
      %scan3A_49 = arith.constant 0 : i32
      scf.yield %scan3A_49 : i32
    }
    %scan3A_27 = arith.constant 640 : i32
    %eq3A = arith.constant 0 : i32
    %eq3A_28 = arith.cmpi eq, %arg1, %eq3A : i32
    %convert_element_type3A = arith.extui %eq3A_28 : i1 to i32
    %cond3A = arith.constant 0 : i32
    %cond3A_29 = arith.cmpi ne, %convert_element_type3A, %cond3A : i32
    scf.if %cond3A_29 {
      "tpu.region"() ({
        %run_scoped3A = tpu.sem_alloc : memref<!tpu.dma_semaphore, #tpu.memory_space<semaphore_mem>>
        tpu.enqueue_dma source(%arg7 : memref<80x128xf32, #tpu.memory_space<vmem>>) target(%arg5 : memref<80x128xf32, #tpu.memory_space<vmem_shared>>) target_semaphore(%run_scoped3A : memref<!tpu.dma_semaphore, #tpu.memory_space<semaphore_mem>>)
        tpu.wait_dma2 semaphore(%run_scoped3A : memref<!tpu.dma_semaphore, #tpu.memory_space<semaphore_mem>>) src(%arg7 : memref<80x128xf32, #tpu.memory_space<vmem>>) dst(%arg5 : memref<80x128xf32, #tpu.memory_space<vmem_shared>>)
        tpu.yield
      }) : () -> ()
    } else {
    }
    %barrier3A = arith.constant 0 : index
    tpu.barrier barrier_id(%barrier3A)
    %gt3A = arith.constant 0 : i32
    %gt3A_30 = arith.cmpi sgt, %arg1, %gt3A : i32
    %convert_element_type3A_31 = arith.extui %gt3A_30 : i1 to i32
    %cond3A_32 = arith.constant 0 : i32
    %cond3A_33 = arith.cmpi ne, %convert_element_type3A_31, %cond3A_32 : i32
    scf.if %cond3A_33 {
      "tpu.region"() ({
        %run_scoped3A = tpu.sem_alloc : memref<!tpu.dma_semaphore, #tpu.memory_space<semaphore_mem>>
        %dma_start3A = arith.constant 0 : i32
        %dma_start3A_40 = arith.constant 0 : i32
        %dma_start3A_41 = tpu.memref_slice %arg5[%dma_start3A, %dma_start3A_40] : memref<80x128xf32, #tpu.memory_space<vmem_shared>> -> memref<80x128xf32, #tpu.memory_space<vmem_shared>>
        tpu.enqueue_indirect_dma source(%arg7 : memref<80x128xf32, #tpu.memory_space<vmem>>) target(%dma_start3A_41 : memref<80x128xf32, #tpu.memory_space<vmem_shared>>) offsets(%arg8 : memref<80xi32, #tpu.memory_space<vmem>>) semaphore(%run_scoped3A : memref<!tpu.dma_semaphore, #tpu.memory_space<semaphore_mem>>) {add = true}
        %dma_wait3A = arith.constant 0 : i32
        %dma_wait3A_42 = arith.constant 0 : i32
        %dma_wait3A_43 = tpu.memref_slice %arg5[%dma_wait3A, %dma_wait3A_42] : memref<80x128xf32, #tpu.memory_space<vmem_shared>> -> memref<80x128xf32, #tpu.memory_space<vmem_shared>>
        tpu.wait_indirect_dma semaphore(%run_scoped3A : memref<!tpu.dma_semaphore, #tpu.memory_space<semaphore_mem>>) src(%arg7 : memref<80x128xf32, #tpu.memory_space<vmem>>) dst(%dma_wait3A_43 : memref<80x128xf32, #tpu.memory_space<vmem_shared>>)
        tpu.yield
      }) : () -> ()
    } else {
    }
    %barrier3A_34 = arith.constant 0 : index
    tpu.barrier barrier_id(%barrier3A_34)
    %eq3A_35 = arith.constant 0 : i32
    %eq3A_36 = arith.cmpi eq, %arg1, %eq3A_35 : i32
    %convert_element_type3A_37 = arith.extui %eq3A_36 : i1 to i32
    %cond3A_38 = arith.constant 0 : i32
    %cond3A_39 = arith.cmpi ne, %convert_element_type3A_37, %cond3A_38 : i32
    scf.if %cond3A_39 {
      %eq3A_40 = arith.constant 0 : i32
      %eq3A_41 = arith.cmpi eq, %arg0, %eq3A_40 : i32
      %convert_element_type3A_42 = arith.extui %eq3A_41 : i1 to i32
      %cond3A_43 = arith.constant 0 : i32
      %cond3A_44 = arith.cmpi ne, %convert_element_type3A_42, %cond3A_43 : i32
      scf.if %cond3A_44 {
        "tpu.region"() ({
          %run_scoped3A = tpu.sem_alloc : memref<!tpu.dma_semaphore, #tpu.memory_space<semaphore_mem>>
          tpu.enqueue_dma source(%arg5 : memref<80x128xf32, #tpu.memory_space<vmem_shared>>) target(%arg3 : memref<80x128xf32, #tpu.memory_space<hbm>>) target_semaphore(%run_scoped3A : memref<!tpu.dma_semaphore, #tpu.memory_space<semaphore_mem>>)
          tpu.wait_dma2 semaphore(%run_scoped3A : memref<!tpu.dma_semaphore, #tpu.memory_space<semaphore_mem>>) src(%arg5 : memref<80x128xf32, #tpu.memory_space<vmem_shared>>) dst(%arg3 : memref<80x128xf32, #tpu.memory_space<hbm>>)
          tpu.yield
        }) : () -> ()
      } else {
      }
      %eq3A_45 = arith.constant 1 : i32
      %eq3A_46 = arith.cmpi eq, %arg0, %eq3A_45 : i32
      %convert_element_type3A_47 = arith.extui %eq3A_46 : i1 to i32
      %cond3A_48 = arith.constant 0 : i32
      %cond3A_49 = arith.cmpi ne, %convert_element_type3A_47, %cond3A_48 : i32
      scf.if %cond3A_49 {
        "tpu.region"() ({
          %run_scoped3A = tpu.sem_alloc : memref<!tpu.dma_semaphore, #tpu.memory_space<semaphore_mem>>
          tpu.enqueue_dma source(%arg5 : memref<80x128xf32, #tpu.memory_space<vmem_shared>>) target(%arg4 : memref<80x128xf32, #tpu.memory_space<hbm>>) target_semaphore(%run_scoped3A : memref<!tpu.dma_semaphore, #tpu.memory_space<semaphore_mem>>)
          tpu.wait_dma2 semaphore(%run_scoped3A : memref<!tpu.dma_semaphore, #tpu.memory_space<semaphore_mem>>) src(%arg5 : memref<80x128xf32, #tpu.memory_space<vmem_shared>>) dst(%arg4 : memref<80x128xf32, #tpu.memory_space<hbm>>)
          tpu.yield
        }) : () -> ()
      } else {
      }
    } else {
    }
    return
  }
}

module attributes {stable_mosaic.version = 14 : i64} {
  func.func @_mm_body(%arg0: i32, %arg1: memref<1024x128xf32, #tpu.memory_space<vmem>>, %arg2: memref<128x128xf32, #tpu.memory_space<vmem>>, %arg3: memref<1024x1xf32, #tpu.memory_space<vmem>>, %arg4: memref<1024x1xf32, #tpu.memory_space<vmem>>, %arg5: memref<1024x128xf32, #tpu.memory_space<vmem>>) attributes {dimension_semantics = [#tpu.dimension_semantics<arbitrary>], iteration_bounds = array<i64: 10>, scalar_prefetch = 0 : i64, scratch_operands = 0 : i64, tpu.core_type = #tpu.core_type<tc>, window_params = [{transform_indices = @transform_0, window_bounds = array<i64: 1024, 128>}, {pipeline_mode = #tpu.pipeline_mode<synchronous>, transform_indices = @transform_1, window_bounds = array<i64: 128, 128>}, {transform_indices = @transform_2, window_bounds = array<i64: 1024, 1>}, {transform_indices = @transform_3, window_bounds = array<i64: 1024, 1>}, {transform_indices = @transform_4, window_bounds = array<i64: 1024, 128>}]} {
    %get3A = arith.constant 0 : index
    %get3A_0 = arith.constant 0 : index
    %get3A_1 = vector.load %arg3[%get3A, %get3A_0] : memref<1024x1xf32, #tpu.memory_space<vmem>>, vector<1024x1xf32>
    %get3A_2 = arith.constant 0 : index
    %get3A_3 = arith.constant 0 : index
    %get3A_4 = vector.load %arg4[%get3A_2, %get3A_3] : memref<1024x1xf32, #tpu.memory_space<vmem>>, vector<1024x1xf32>
    %add3A = arith.addf %get3A_1, %get3A_4 : vector<1024x1xf32>
    %add3A_5 = arith.constant 1.000000e+00 : f32
    %add3A_6 = vector.broadcast %add3A_5 : f32 to vector<1024x1xf32>
    %add3A_7 = arith.addf %add3A, %add3A_6 : vector<1024x1xf32>
    %get3A_8 = arith.constant 0 : index
    %get3A_9 = arith.constant 0 : index
    %get3A_10 = vector.load %arg1[%get3A_8, %get3A_9] : memref<1024x128xf32, #tpu.memory_space<vmem>>, vector<1024x128xf32>
    %get3A_11 = arith.constant 0 : index
    %get3A_12 = arith.constant 0 : index
    %get3A_13 = vector.load %arg2[%get3A_11, %get3A_12] : memref<128x128xf32, #tpu.memory_space<vmem>>, vector<128x128xf32>
    %dot_general3A = arith.constant dense<0.000000e+00> : vector<1024x128xf32>
    %dot_general3A_14 = tpu.matmul %get3A_10, %get3A_13, %dot_general3A {dimension_numbers = #tpu.dot_dimension_numbers<[1], [0], [0], [1], [0, 0, 1, 1], [], []>, transpose_lhs_hint = false} : vector<1024x128xf32>, vector<128x128xf32>, vector<1024x128xf32> -> vector<1024x128xf32>
    %rsqrt3A = math.rsqrt %add3A_7 : vector<1024x1xf32>
    %mul3A = vector.broadcast %rsqrt3A : vector<1024x1xf32> to vector<1024x128xf32>
    %mul3A_15 = arith.mulf %dot_general3A_14, %mul3A : vector<1024x128xf32>
    %swap3A = arith.constant 0 : index
    %swap3A_16 = arith.constant 0 : index
    %swap3A_17 = vector.load %arg5[%swap3A, %swap3A_16] : memref<1024x128xf32, #tpu.memory_space<vmem>>, vector<1024x128xf32>
    tpu.vector_store %arg5[%swap3A, %swap3A_16], %mul3A_15 {strides = array<i32>} : memref<1024x128xf32, #tpu.memory_space<vmem>>, vector<1024x128xf32>,
    return
  }
  func.func @transform_0(%arg0: i32) -> (i32, i32) {
    %c0_i32 = arith.constant 0 : i32
    %c0_i32_0 = arith.constant 0 : i32
    return %arg0, %c0_i32 : i32, i32
  }
  func.func @transform_1(%arg0: i32) -> (i32, i32) {
    %c0_i32 = arith.constant 0 : i32
    %c0_i32_0 = arith.constant 0 : i32
    %c0_i32_1 = arith.constant 0 : i32
    return %c0_i32, %c0_i32_0 : i32, i32
  }
  func.func @transform_2(%arg0: i32) -> (i32, i32) {
    %c0_i32 = arith.constant 0 : i32
    %c0_i32_0 = arith.constant 0 : i32
    return %arg0, %c0_i32 : i32, i32
  }
  func.func @transform_3(%arg0: i32) -> (i32, i32) {
    %c0_i32 = arith.constant 0 : i32
    %c0_i32_0 = arith.constant 0 : i32
    return %arg0, %c0_i32 : i32, i32
  }
  func.func @transform_4(%arg0: i32) -> (i32, i32) {
    %c0_i32 = arith.constant 0 : i32
    %c0_i32_0 = arith.constant 0 : i32
    return %arg0, %c0_i32 : i32, i32
  }
}

module attributes {stable_mosaic.version = 14 : i64} {
  func.func @_bn_body(%arg0: i32, %arg1: memref<10000x128xf32, #tpu.memory_space<vmem>>, %arg2: memref<10000x128xf32, #tpu.memory_space<vmem>>, %arg3: memref<10000x128xf32, #tpu.memory_space<vmem>>, %arg4: memref<10000x1xf32, #tpu.memory_space<vmem>>, %arg5: memref<10000x1xf32, #tpu.memory_space<vmem>>, %arg6: memref<1x128xf32, #tpu.memory_space<vmem>>, %arg7: memref<1x128xf32, #tpu.memory_space<vmem>>, %arg8: memref<10000x128xf32, #tpu.memory_space<vmem>>) attributes {dimension_semantics = [#tpu.dimension_semantics<arbitrary>], iteration_bounds = array<i64: 1>, scalar_prefetch = 0 : i64, scratch_operands = 0 : i64, tpu.core_type = #tpu.core_type<tc>, window_params = [{transform_indices = @transform_0, window_bounds = array<i64: 10000, 128>}, {transform_indices = @transform_1, window_bounds = array<i64: 10000, 128>}, {transform_indices = @transform_2, window_bounds = array<i64: 10000, 128>}, {transform_indices = @transform_3, window_bounds = array<i64: 10000, 1>}, {transform_indices = @transform_4, window_bounds = array<i64: 10000, 1>}, {pipeline_mode = #tpu.pipeline_mode<synchronous>, transform_indices = @transform_5, window_bounds = array<i64: 1, 128>}, {pipeline_mode = #tpu.pipeline_mode<synchronous>, transform_indices = @transform_6, window_bounds = array<i64: 1, 128>}, {pipeline_mode = #tpu.pipeline_mode<synchronous>, transform_indices = @transform_7, window_bounds = array<i64: 10000, 128>}]} {
    %get3A = arith.constant 0 : index
    %get3A_0 = arith.constant 0 : index
    %get3A_1 = vector.load %arg4[%get3A, %get3A_0] : memref<10000x1xf32, #tpu.memory_space<vmem>>, vector<10000x1xf32>
    %get3A_2 = arith.constant 0 : index
    %get3A_3 = arith.constant 0 : index
    %get3A_4 = vector.load %arg5[%get3A_2, %get3A_3] : memref<10000x1xf32, #tpu.memory_space<vmem>>, vector<10000x1xf32>
    %add3A = arith.addf %get3A_1, %get3A_4 : vector<10000x1xf32>
    %add3A_5 = arith.constant 1.000000e+00 : f32
    %add3A_6 = vector.broadcast %add3A_5 : f32 to vector<10000x1xf32>
    %add3A_7 = arith.addf %add3A, %add3A_6 : vector<10000x1xf32>
    %rsqrt3A = math.rsqrt %add3A_7 : vector<10000x1xf32>
    %get3A_8 = arith.constant 0 : index
    %get3A_9 = arith.constant 0 : index
    %get3A_10 = vector.load %arg1[%get3A_8, %get3A_9] : memref<10000x128xf32, #tpu.memory_space<vmem>>, vector<10000x128xf32>
    %get3A_11 = arith.constant 0 : index
    %get3A_12 = arith.constant 0 : index
    %get3A_13 = vector.load %arg2[%get3A_11, %get3A_12] : memref<10000x128xf32, #tpu.memory_space<vmem>>, vector<10000x128xf32>
    %add3A_14 = arith.addf %get3A_10, %get3A_13 : vector<10000x128xf32>
    %get3A_15 = arith.constant 0 : index
    %get3A_16 = arith.constant 0 : index
    %get3A_17 = vector.load %arg3[%get3A_15, %get3A_16] : memref<10000x128xf32, #tpu.memory_space<vmem>>, vector<10000x128xf32>
    %sub3A = arith.subf %add3A_14, %get3A_17 : vector<10000x128xf32>
    %mul3A = vector.broadcast %rsqrt3A : vector<10000x1xf32> to vector<10000x128xf32>
    %mul3A_18 = arith.mulf %sub3A, %mul3A : vector<10000x128xf32>
    %reduce_sum3A = arith.constant dense<0.000000e+00> : vector<128xf32>
    %reduce_sum3A_19 = vector.multi_reduction <add>, %mul3A_18, %reduce_sum3A [0] : vector<10000x128xf32> to vector<128xf32>
    %broadcast_in_dim3A = vector.shape_cast %reduce_sum3A_19 : vector<128xf32> to vector<1x128xf32>
    %div3A = arith.constant 1.000000e+04 : f32
    %div3A_20 = vector.broadcast %div3A : f32 to vector<1x128xf32>
    %div3A_21 = arith.divf %broadcast_in_dim3A, %div3A_20 : vector<1x128xf32>
    %sub3A_22 = vector.broadcast %div3A_21 : vector<1x128xf32> to vector<10000x128xf32>
    %sub3A_23 = arith.subf %mul3A_18, %sub3A_22 : vector<10000x128xf32>
    %mul3A_24 = arith.mulf %sub3A_23, %sub3A_23 : vector<10000x128xf32>
    %reduce_sum3A_25 = arith.constant dense<0.000000e+00> : vector<128xf32>
    %reduce_sum3A_26 = vector.multi_reduction <add>, %mul3A_24, %reduce_sum3A_25 [0] : vector<10000x128xf32> to vector<128xf32>
    %broadcast_in_dim3A_27 = vector.shape_cast %reduce_sum3A_26 : vector<128xf32> to vector<1x128xf32>
    %div3A_28 = arith.constant 1.000000e+04 : f32
    %div3A_29 = vector.broadcast %div3A_28 : f32 to vector<1x128xf32>
    %div3A_30 = arith.divf %broadcast_in_dim3A_27, %div3A_29 : vector<1x128xf32>
    %add3A_31 = arith.constant 9.99999974E-6 : f32
    %add3A_32 = vector.broadcast %add3A_31 : f32 to vector<1x128xf32>
    %add3A_33 = arith.addf %div3A_30, %add3A_32 : vector<1x128xf32>
    %rsqrt3A_34 = math.rsqrt %add3A_33 : vector<1x128xf32>
    %mul3A_35 = vector.broadcast %rsqrt3A_34 : vector<1x128xf32> to vector<10000x128xf32>
    %mul3A_36 = arith.mulf %sub3A_23, %mul3A_35 : vector<10000x128xf32>
    %get3A_37 = arith.constant 0 : index
    %get3A_38 = arith.constant 0 : index
    %get3A_39 = vector.load %arg6[%get3A_37, %get3A_38] : memref<1x128xf32, #tpu.memory_space<vmem>>, vector<1x128xf32>
    %mul3A_40 = vector.broadcast %get3A_39 : vector<1x128xf32> to vector<10000x128xf32>
    %mul3A_41 = arith.mulf %mul3A_36, %mul3A_40 : vector<10000x128xf32>
    %get3A_42 = arith.constant 0 : index
    %get3A_43 = arith.constant 0 : index
    %get3A_44 = vector.load %arg7[%get3A_42, %get3A_43] : memref<1x128xf32, #tpu.memory_space<vmem>>, vector<1x128xf32>
    %add3A_45 = vector.broadcast %get3A_44 : vector<1x128xf32> to vector<10000x128xf32>
    %add3A_46 = arith.addf %mul3A_41, %add3A_45 : vector<10000x128xf32>
    %max3A = arith.constant 0.000000e+00 : f32
    %max3A_47 = vector.broadcast %max3A : f32 to vector<10000x128xf32>
    %max3A_48 = arith.maximumf %add3A_46, %max3A_47 : vector<10000x128xf32>
    %swap3A = arith.constant 0 : index
    %swap3A_49 = arith.constant 0 : index
    %swap3A_50 = vector.load %arg8[%swap3A, %swap3A_49] : memref<10000x128xf32, #tpu.memory_space<vmem>>, vector<10000x128xf32>
    tpu.vector_store %arg8[%swap3A, %swap3A_49], %max3A_48 {strides = array<i32>} : memref<10000x128xf32, #tpu.memory_space<vmem>>, vector<10000x128xf32>,
    return
  }
  func.func @transform_0(%arg0: i32) -> (i32, i32) {
    %c0_i32 = arith.constant 0 : i32
    %c0_i32_0 = arith.constant 0 : i32
    %c0_i32_1 = arith.constant 0 : i32
    return %c0_i32, %c0_i32_0 : i32, i32
  }
  func.func @transform_1(%arg0: i32) -> (i32, i32) {
    %c0_i32 = arith.constant 0 : i32
    %c0_i32_0 = arith.constant 0 : i32
    %c0_i32_1 = arith.constant 0 : i32
    return %c0_i32, %c0_i32_0 : i32, i32
  }
  func.func @transform_2(%arg0: i32) -> (i32, i32) {
    %c0_i32 = arith.constant 0 : i32
    %c0_i32_0 = arith.constant 0 : i32
    %c0_i32_1 = arith.constant 0 : i32
    return %c0_i32, %c0_i32_0 : i32, i32
  }
  func.func @transform_3(%arg0: i32) -> (i32, i32) {
    %c0_i32 = arith.constant 0 : i32
    %c0_i32_0 = arith.constant 0 : i32
    %c0_i32_1 = arith.constant 0 : i32
    return %c0_i32, %c0_i32_0 : i32, i32
  }
  func.func @transform_4(%arg0: i32) -> (i32, i32) {
    %c0_i32 = arith.constant 0 : i32
    %c0_i32_0 = arith.constant 0 : i32
    %c0_i32_1 = arith.constant 0 : i32
    return %c0_i32, %c0_i32_0 : i32, i32
  }
  func.func @transform_5(%arg0: i32) -> (i32, i32) {
    %c0_i32 = arith.constant 0 : i32
    %c0_i32_0 = arith.constant 0 : i32
    %c0_i32_1 = arith.constant 0 : i32
    return %c0_i32, %c0_i32_0 : i32, i32
  }
  func.func @transform_6(%arg0: i32) -> (i32, i32) {
    %c0_i32 = arith.constant 0 : i32
    %c0_i32_0 = arith.constant 0 : i32
    %c0_i32_1 = arith.constant 0 : i32
    return %c0_i32, %c0_i32_0 : i32, i32
  }
  func.func @transform_7(%arg0: i32) -> (i32, i32) {
    %c0_i32 = arith.constant 0 : i32
    %c0_i32_0 = arith.constant 0 : i32
    %c0_i32_1 = arith.constant 0 : i32
    return %c0_i32, %c0_i32_0 : i32, i32
  }
}

</mosaic_0001>

<sc_bundles>
// kernel: kernel.6.cloned.1.call-start
scs
__scs_entry_jumppad:
0x0: {  	(pc) =	sbr.rel $0x88, $3  }
0x1: {  	(tag) =	ssettag $0x0;
	lr =	simm.s32 $0x1  }
0x2: {  	[smem:$0x3F9C] =	sst lr;
	_ =	strace $0xD0000000  }
0x3: {  	_ = 	snop  }
0x4: {  	_ = 	snop  }
0x5: {  	_ = 	snop  }
0x6: {  	_ = 	snop  }
0x7: {  	_ = 	snop  }
__scs_overlays_trampoline_lowered:
0x8: {  	[smem:$0x3FAB] =	sst s0  }
0x9: {  	[smem:$0x3FAC] =	sst s1  }
0xa: {  	[smem:$0x3FAD] =	sst s2  }
0xb: {  	[smem:$0x3FAE] =	sst s3  }
0xc: {  	[smem:$0x3FAF] =	sst s4  }
0xd: {  	[smem:$0x3FB0] =	sst s5  }
0xe: {  	[smem:$0x3FB1] =	sst s6  }
0xf: {  	[smem:$0x3FB2] =	sst s7  }
0x10: {  	[smem:$0x3FB3] =	sst s8  }
0x11: {  	[smem:$0x3FB4] =	sst s9;
	s0 =	simm.s32 @!p0 $0x0  }
0x12: {  	s1 =	sld [smem:$0x3F9A];
	s0 =	simm.s32 @p0 $0x1  }
0x13: {  	[smem:$0x3FB5] =	sst s0;
	s0 =	simm.s32 @!p1 $0x0  }
0x14: {  	s2 =	sld [smem:$0x3F99];
	s0 =	simm.s32 @p1 $0x1  }
0x15: {  	[smem:$0x3FB6] =	sst s0;
	s0 =	simm.s32 @!p2 $0x0  }
0x16: {  	s3 =	sld [smem:$0x3FDB];
	s0 =	simm.s32 @p2 $0x1  }
0x17: {  	s4 =	simm.s32 $0x1BF5;
	[smem:$0x3FB8] =	sst s0  }
0x18: {  	s0 =	sld [smem:$0x3F9B];
	_ =	swait.ge [sflag:s4], $0x0  }
0x19: {  	s7 =	sld [smem:$0x3F9C]  }
0x1a: {  	s8 =	sadd.s32 $0xFFFFE003, lr  }
0x1b: {  	s9 =	sadd.s32 $0xFFFFFEF7, lr;
	s5 =	simm.s32 $0xFFFFFFFF;
	p2 =	slt.u32 s8, $0xFFFFF086  }
0x1c: {  	p1 =	slt.u32 s9, $0xF7A;
	s5 =	simm.s32 @!p2 $0x0  }
0x1d: {  	s5 =	simm.s32 @p1 $0x1;
	p0 =	seq.s32 s7, s2  }
0x1e: {  	s7 =	smul.u32 @!p0 $0xF7A, s2;
	p2 =	seq.s32 @!p0 s5, $0x0  }
0x1f: {  	s9 =	smul.u32 $0xF7A, s1;
	s8 =	simm.s32 @!p0 $0x1BF5;
	p2 =	por !p2, p0  }
0x20: {  	[sflag:s8] =	ssyncset.s32 @!p0 $0xFFFFF086;
	s6 =	sadd.s32 @!p0 s3, s7;
	s7 =	simm.s32 @!p0 $0x108  }
0x21: {  	s3 =	sadd.s32 s3, s9;
	s6 =	sadd.s32 @!p0 $0x88, s6;
	s7 =	simm.s32 @p2 $0x1082  }
0x22: {  	[simem:s7], [sflag:s8] =	dma.local @!p0 [hbm:s6], $0xF7A  }
0x23: {  	s9 =	sor.u32 $0xD0000000, s2;
	s6 =	simm.s32 $0x108;
	_ =	swait.ge @!p0 [sflag:s8], $0x0  }
0x24: {  	s3 =	sadd.s32 $0x88, s3;
	s6 =	simm.s32 @!p1 $0x1082;
	[sflag:s4] =	ssyncset.s32 $0xFFFFF086  }
0x25: {  	[simem:s6], [sflag:s4] =	dma.local [hbm:s3], $0xF7A  }
0x26: {  	[smem:$0x3F9C] =	sst s1;
	(tag) =	ssettag s2;
	_ =	strace s9  }
0x27: {  	s1 =	sld [smem:$0x3FAC]  }
0x28: {  	s2 =	sld [smem:$0x3FAD]  }
0x29: {  	s4 =	sld [smem:$0x3FAF]  }
0x2a: {  	p0 =	seq.s32 s5, $0x0;
	s5 =	sld [smem:$0x3FB0]  }
0x2b: {  	s6 =	sld [smem:$0x3FB1]  }
0x2c: {  	s7 =	sld [smem:$0x3FB2]  }
0x2d: {  	s3 =	simm.s32 $0x108;
	s8 =	sld [smem:$0x3FB3]  }
0x2e: {  	s3 =	simm.s32 @!p0 $0x1082;
	s9 =	sld [smem:$0x3FB4]  }
0x2f: {  	lr =	sadd.s32 s0, s3;
	s0 =	sld [smem:$0x3FAB]  }
0x30: {  	s3 =	sld [smem:$0x3FAE]  }
0x31: {  	[smem:$0x3FB7] =	sst s10  }
0x32: {  	s10 =	sld [smem:$0x3FB5];
	_ =	sdelay $0x3  }
0x33: {  	p0 =	seq.s32 s10, $0x1;
	s10 =	sld [smem:$0x3FB7];
	_ =	sdelay $0x3  }
0x34: {  	[smem:$0x3FB7] =	sst s10  }
0x35: {  	s10 =	sld [smem:$0x3FB6];
	_ =	sdelay $0x3  }
0x36: {  	p1 =	seq.s32 s10, $0x1;
	s10 =	sld [smem:$0x3FB7];
	_ =	sdelay $0x3  }
0x37: {  	[smem:$0x3FB7] =	sst s10  }
0x38: {  	s10 =	sld [smem:$0x3FB8]  }
0x39: {  	_ = 	snop;
	(pc) =	sbr.ind lr, $3  }
0x3a: {  	_ = 	snop  }
0x3b: {  	_ = 	snop  }
0x3c: {  	p2 =	seq.s32 s10, $0x1;
	s10 =	sld [smem:$0x3FB7]  }
0x3d: {  	_ =	shalt  }
0x3e: {  	_ =	shalt  }
0x3f: {  	_ =	shalt  }
0x40: {  	_ =	shalt  }
0x41: {  	_ =	shalt  }
0x42: {  	_ =	shalt  }
0x43: {  	_ =	shalt  }
0x44: {  	_ =	shalt  }
0x45: {  	_ =	shalt  }
0x46: {  	_ =	shalt  }
0x47: {  	_ =	shalt  }
0x48: {  	_ =	shalt  }
0x49: {  	_ =	shalt  }
0x4a: {  	_ =	shalt  }
0x4b: {  	_ =	shalt  }
0x4c: {  	_ =	shalt  }
0x4d: {  	_ =	shalt  }
0x4e: {  	_ =	shalt  }
0x4f: {  	_ =	shalt  }
0x50: {  	_ =	shalt  }
0x51: {  	_ =	shalt  }
0x52: {  	_ =	shalt  }
0x53: {  	_ =	shalt  }
0x54: {  	_ =	shalt  }
0x55: {  	_ =	shalt  }
0x56: {  	_ =	shalt  }
0x57: {  	_ =	shalt  }
0x58: {  	_ =	shalt  }
0x59: {  	_ =	shalt  }
0x5a: {  	_ =	shalt  }
0x5b: {  	_ =	shalt  }
0x5c: {  	_ =	shalt  }
0x5d: {  	_ =	shalt  }
0x5e: {  	_ =	shalt  }
0x5f: {  	_ =	shalt  }
0x60: {  	_ =	shalt  }
0x61: {  	_ =	shalt  }
0x62: {  	_ =	shalt  }
0x63: {  	_ =	shalt  }
0x64: {  	_ =	shalt  }
0x65: {  	_ =	shalt  }
0x66: {  	_ =	shalt  }
0x67: {  	_ =	shalt  }
0x68: {  	_ =	shalt  }
0x69: {  	_ =	shalt  }
0x6a: {  	_ =	shalt  }
0x6b: {  	_ =	shalt  }
0x6c: {  	_ =	shalt  }
0x6d: {  	_ =	shalt  }
0x6e: {  	_ =	shalt  }
0x6f: {  	_ =	shalt  }
0x70: {  	_ =	shalt  }
0x71: {  	_ =	shalt  }
0x72: {  	_ =	shalt  }
0x73: {  	_ =	shalt  }
0x74: {  	_ =	shalt  }
0x75: {  	_ =	shalt  }
0x76: {  	_ =	shalt  }
0x77: {  	_ =	shalt  }
0x78: {  	_ =	shalt  }
0x79: {  	_ =	shalt  }
0x7a: {  	_ =	shalt  }
0x7b: {  	_ =	shalt  }
0x7c: {  	_ =	shalt  }
0x7d: {  	_ =	shalt  }
0x7e: {  	_ =	shalt  }
0x7f: {  	_ =	shalt  }
0x80: {  	_ =	shalt  }
0x81: {  	_ =	shalt  }
0x82: {  	_ =	shalt  }
0x83: {  	_ =	shalt  }
0x84: {  	_ =	shalt  }
0x85: {  	_ =	shalt  }
0x86: {  	_ =	shalt  }
0x87: {  	_ =	shalt  }
.Lfunc_end0:
.L_simem_size_0:
called_computation_lowered:
.L_overlay_start_0:
0x88: {  	s2 =	sld [smem:$0x3FD9]  }
0x89: {  	s3 =	sld [smem:$0x3FFE];
	_ =	sdelay $0x1  }
0x8a: {  	s1 =	srdreg.scid  }
0x8b: {  	s0 =	sand.u32 $0x1, s1  }
0x8c: {  	s16 =	sshll.u32 s0, $0xA;
	s2 =	sadd.s32 s3, s2  }
0x8d: {  	s2 =	sadd.s32 s2, s16  }
0x8e: {  	[smem:$0x3FC3] =	sst s2  }
0x8f: {  	_ = 	snop  }
0x90: {  	(tm) =	ssettm $0x1  }
0x91: {  	s17 =	sld [smem:$0x3FFB];
	_ =	sdelay $0x3  }
0x92: {  	_ =	strace s17  }
0x93: {  	s2 =	sld [smem:$0x3FFC];
	_ =	sdelay $0x3  }
0x94: {  	_ =	strace s2  }
0x95: {  	s2 =	sld [smem:$0x3FFD];
	_ =	sdelay $0x3  }
0x96: {  	_ =	strace s2  }
0x97: {  	_ =	strace $0x8FFFFFFF  }
0x98: {  	s18 =	sld [smem:$0x3FDB];
	_ =	sdelay $0x1  }
0x99: {  	s19 =	simm.s32 $_scs_section_size  }
0x9a: {  	s4 =	simm.s32 $_size__tile_overlayer_lowered;
	s5 =	simm.s32 $_tile_overlayer_lowered  }
0x9b: {  	s22 =	simm.s32 $0x1BFF;
	s21 =	sshll.u32 s5, $0x1;
	s2 =	sadd.s32 s19, s18  }
0x9c: {  	s6 =	simm.s32 $0x0;
	s20 =	sshll.u32 s4, $0x1;
	s4 =	sadd.s32 s21, s2  }
0x9d: {  	[timem:s6], [sflag:s22] =	dma.local [hbm:s4], s20  }
0x9e: {  	_ =	swait.ge [sflag:s22], s20  }
0x9f: {  	s3 =	ssub.s32 $0x0, s20;
	[sflag:s22] =	ssyncset.done $0x0  }
0xa0: {  	[sflag:s22] =	ssyncadd.s32 s3;
	_ =	sdelay $0x1  }
0xa1: {  	s23 =	simm.s32 $0x1B8B  }
0xa2: {  	_ =	swait.ge [sflag:s23], $0x1  }
0xa3: {  	[sflag:s23] =	ssyncset.done $0x0  }
0xa4: {  	s25 =	simm.s32 $0x1B8E;
	s24 =	sld [smem:$0x3FFE];
	[sflag:s23] =	ssyncadd.s32 $0xFFFFFFFF  }
0xa5: {  	s26 =	simm.s32 $execute0_lowered;
	[smem:$0x3FD2] =	sst s25  }
0xa6: {  	s4 =	sshll.u32 s26, $0x1;
	_ =	strace $0x80000046;
	[dreg:$0x1] =	wrdreg $0xFFFFFFFF  }
0xa7: {  	s28 =	simm.s32 $_size_execute0_lowered;
	s2 =	sadd.s32 s2, s4;
	[dreg:$0x0] =	wrdreg $0x0  }
0xa8: {  	s4 =	sshll.u32 s28, $0x1;
	[dreg:$0x2] =	wrdreg s2  }
0xa9: {  	[dreg:$0x3] =	wrdreg s4  }
0xaa: {  	[dreg:$0x4] =	wrdreg $0xC0  }
0xab: {  	_ =	task [dreg:s6], $0x5FFFF  }
0xac: {  	[dreg:$0x1] =	wrdreg $0xFFFFFFFF  }
0xad: {  	[dreg:$0x0] =	wrdreg $0x60  }
0xae: {  	[dreg:$0x2] =	wrdreg s24  }
0xaf: {  	[dreg:$0x3] =	wrdreg $0x0  }
0xb0: {  	[dreg:$0x4] =	wrdreg $0x9  }
0xb1: {  	_ =	task.clear_ibuf [dreg:s6], $0x5FFFF;
	_ =	strace $0x90000046  }
0xb2: {  	s29 =	simm.s32 $0x9;
	_ =	strace $0x80000048  }
0xb3: {  	_ =	swait.ge [sflag:s29], $0x1  }
0xb4: {  	[sflag:s29] =	ssyncadd.s32 $0xFFFFFFFF  }
0xb5: {  	_ =	strace $0x90000048  }
0xb6: {  	_ =	sfence  }
0xb7: {  	s30 =	sld [smem:$0x0];
	_ =	sdelay $0x2  }
0xb8: {  	s31 =	sshll.u32 s1, $0xD;
	s1 =	sshrl.u32 s1, $0x2  }
0xb9: {  	s3 =	sand.u32 $0x4000, s31;
	s1 =	sadd.s32 s1, s30  }
0xba: {  	s0 =	sor.u32 s3, s0;
	s1 =	sshll.u32 s1, $0x11  }
0xbb: {  	s0 =	sor.u32 s1, s0  }
0xbc: {  	s0 =	sadd.s32 $0x8F2B, s0  }
0xbd: {  	[sflag:s0] =	ssyncadd.remote.s32 $0x1  }
0xbe: {  	_ =	sfence.sel $0xFFFF  }
0xbf: {  	[dreg:$0x0] =	wrdreg $0xFFFFFFFF;
	(pc) =	sbr.abs _section_cstart, $3  }
0xc0: {  	[dreg:$0x1] =	wrdreg $0xFFFFFFFF  }
0xc1: {  	_ =	task.clear_ibuf [dreg:s6], $0x2FFFF;
	_ =	strace $0x9FFFFFFF  }
0xc2: {  	(tm) =	ssettm $0x7FFFFFFF  }
0xc3: {  	_ =	shalt  }
tec
execute0_lowered:
.L_overlay_start_1:
0x0: {  	(tag) =	ssettag $0x1  }
0x1: {  	s5 =	rddreg [dreg:$0x0]  }
0x2: {  	s0 =	srdreg.scid;
	s2 =	rddreg [dreg:$0x1]  }
0x3: {  	s3 =	simm.s32 $0x0;
	s10 =	simm.s32 $0x2A80;
	s13 =	simm.s32 $0x0  }
0x4: {  	s7 =	sand.u32 $0x1, s0;
	s0 =	stileid.u32;
	[smem:$0x7FF] =	sst s3  }
0x5: {  	s1 =	sshll.u32 s7, $0x4;
	s6 =	ssub.s32 $0x2, s7;
	p2 =	seq.s32 s7, $0x1  }
0x6: {  	p0 =	seq.s32 s0, $0x0;
	s4 =	sor.u32 s0, s1;
	s1 =	rddreg [dreg:$0x2]  }
0x7: {  	_ =	strace $0x80000047;
	s9 =	sshrl.u32 s6, $0x1;
	p1 =	por !p2, !p0  }
0x8: {  	p2 =	por p2, !p0;
	s4 =	smul.u32 $0x500, s4;
	s9 =	ssub.s32 s6, s9  }
0x9: {  	v0 =	vlaneseq.u32;
	s11 =	sshrl.u32 @!p1 s2, $0x3;
	s12 =	sshrl.u32 @!p2 s2, $0x3;
	s7 =	smax.u32 s9, $0x1  }
0xa: {  	v1 =	vimm.f32 $0.0e+00;
	v6 =	vimm.f32 $1.000000000e+00;
	v2 =	vor.u32 $0x10, v0;
	s9 =	simm.s32 $0x1;
	s8 =	sadd.s32 s4, s5;
	s4 =	sadd.s32 $0xD000, s5  }
0xb: {  	v3 =	vor.u32 $0x20, v0;
	v4 =	vor.u32 $0x30, v0;
	v5 =	vor.u32 $0x40, v0;
	s5 =	sadd.s32 $0xCA00, s5;
	s6 =	sadd.s32 $0x2A00, s8;
	s8 =	simm.s32 $0x280  }
.LBB2_1:
0xc: {  	[tilespmem:s8], [sflag:$0x1] =	stream.linear.gather [hbm4b:s6+s3], $0x2800, $0x38;
	[tilespmem:$0x5300] =	vst v63  }
0xd: {  	s14 =	sand.u32 $0xFE00, s3;
	s15 =	sand.u32 $0x70, s3;
	_ =	swait.ge [sflag:s9], $0x2800  }
0xe: {  	s16 =	sshrl.u32 s14, $0x2;
	s14 =	simm.s32 $0x40;
	[sflag:s9] =	ssyncset.done $0x0  }
0xf: {  	s16 =	sor.u32 s15, s16;
	s15 =	simm.s32 $0x0;
	[sflag:s9] =	ssyncadd.s32 $0xFFFFD800  }
.LBB2_2:
0x10: {  	p3 =	sne.s32 s14, $0x9FC0  }
0x11: {  	[tilespmem:s16+$0x2A80] =	vst v1;
	s15 =	sadd.s32 $0x10, s15;
	s16 =	smov.u32 s14;
	s14 =	sadd.s32 $0x40, s14  }
.Ltmp0:
0x12: {  	(pc) =	sbr.rel @p3 .LBB2_2-.Ltmp0, $4  }
0x13: {  	_ = 	snop  }
0x14: {  	s16 =	sand.u32 $0xFE00, s16  }
0x15: {  	s17 =	sand.u32 $0x70, s15;
	s16 =	sshrl.u32 s16, $0x2  }
0x16: {  	s16 =	sor.u32 s17, s16  }
0x17: {  	[tilespmem:s16+$0x2A80] =	vst v1  }
0x18: {  	[tilespmem:$0x5280] =	vst v0  }
0x19: {  	[tilespmem:$0x5290] =	vst v2  }
0x1a: {  	[tilespmem:$0x52A0] =	vst v3  }
0x1b: {  	[tilespmem:$0x52B0] =	vst v4  }
0x1c: {  	s15 =	simm.s32 $0x0;
	s14 =	simm.s32 $0x40;
	[tilespmem:$0x52C0] =	vst v5  }
.LBB2_4:
0x1d: {  	p3 =	sne.s32 s14, $0x9FC0;
	v7 =	vld [tilespmem:s15+$0x280];
	_ =	sdelay $0x3  }
.Ltmp1:
0x1e: {  	(pc) =	sbr.rel @p3 .LBB2_4-.Ltmp1, $2  }
0x1f: {  	_ =	sdelay $0x2  }
0x20: {  	s15 =	sshra.s32 s14, $0x2;
	s14 =	sadd.s32 $0x40, s14;
	[tilespmem:v7+s10+$0x0] =	vst.idx.add.f32.msk $0xffff, v6  }
0x21: {  	v7 =	vld [tilespmem:s15+$0x280];
	_ =	sdelay $0x7  }
0x22: {  	s14 =	simm.s32 @p0 $0x2A80;
	[tilespmem:v7+s10+$0x0] =	vst.idx.add.f32.msk $0xffff, v6  }
0x23: {  	[spmem:s2] =	stream.linear.scatter @p0 [tilespmem:s14], [sflag:$0x1], $0x2800, $0x38;
	[tilespmem:$0x5300] =	vst v63  }
0x24: {  	s14 =	simm.s32 @p0 $0x1  }
0x25: {  	_ =	swait.ge @p0 [sflag:s14], $0x2800  }
0x26: {  	[sflag:s14] =	ssyncset.done @p0 $0x0  }
0x27: {  	[sflag:s14] =	ssyncadd.s32 @p0 $0xFFFFD800  }
0x28: {  	[bflag:$0x0] =	sbarrier.arrive @p0 $0xFFFF  }
0x29: {  	s15 =	simm.s32 @!p1 $0x1;
	s14 =	simm.s32 @p0 $0x1C01;
	[bflag:$0x0] =	sbarrier.arrive @p0 $0xFFFF  }
0x2a: {  	[hbm:s5], [sflag:s14] =	dma.local @!p1 [spmem:s11], $0x500  }
0x2b: {  	_ =	swait.ge @!p1 [sflag:s15], $0x500  }
0x2c: {  	[sflag:s15] =	ssyncset.done @!p1 $0x0  }
0x2d: {  	[sflag:s15] =	ssyncadd.s32 @!p1 $0xFFFFFB00  }
0x2e: {  	[hbm:s4], [sflag:s14] =	dma.local @!p2 [spmem:s12], $0x500  }
0x2f: {  	s14 =	simm.s32 @!p2 $0x1  }
0x30: {  	_ =	swait.ge @!p2 [sflag:s14], $0x500  }
0x31: {  	[sflag:s14] =	ssyncset.done @!p2 $0x0  }
0x32: {  	s16 =	simm.s32 @!p0 $0x2A80;
	s13 =	sadd.s32 $0x1, s13;
	[sflag:s14] =	ssyncadd.s32 @!p2 $0xFFFFFB00  }
0x33: {  	s15 =	simm.s32 @!p0 $0x5280;
	s14 =	simm.s32 @!p0 $0x50;
	[bflag:$0x0] =	sbarrier.arrive @!p0 $0xFFFF  }
0x34: {  	[spmem:s2] =	stream.indirect.scatter.add.f32 @!p0 [tilespmem:s16], [sflag:$0x1], $0x80, s15, s14, $0xb8;
	[tilespmem:$0x5300] =	vst v63  }
0x35: {  	p3 =	sne.s32 s13, s7;
	s14 =	simm.s32 @!p0 $0x1  }
.Ltmp2:
0x36: {  	_ =	swait.ge @!p0 [sflag:s14], $0x2800;
	(pc) =	sbr.rel @p3 .LBB2_1-.Ltmp2, $3  }
0x37: {  	[sflag:s14] =	ssyncset.done @!p0 $0x0  }
0x38: {  	[sflag:s14] =	ssyncadd.s32 @!p0 $0xFFFFD800  }
0x39: {  	[bflag:$0x0] =	sbarrier.arrive @!p0 $0xFFFF;
	_ =	sdelay $0x1  }
0x3a: {  	_ =	sfence.sel $0x180000  }
0x3b: {  	[bflag:$0x0] =	sbarrier.arrive $0xFFFF  }
0x3c: {  	p0 =	sne.s32 s0, $0x0;
	_ =	strace $0x90000047  }
0x3d: {  	s0 =	sadd.s32 @!p0 $0x100000, s1;
	[bflag:$0x2] =	sbarrier.arrive $0xFFFF  }
0x3e: {  	[sflag:s0] =	ssyncadd.tile.s32 @!p0 $0x1;
	_ =	shalt  }
.Lfunc_end2:
_tile_overlayer_lowered:
.L_overlay_start_2:
0x3f: {  	(tag) =	ssettag $0x2  }
0x40: {  	s0 =	rddreg [dreg:$0x0];
	s2 =	stileid.u32  }
0x41: {  	s1 =	rddreg [dreg:$0x1];
	p0 =	sne.s32 s2, $0x0  }
0x42: {  	s3 =	rddreg [dreg:$0x2];
	[bflag:$0x3] =	sbarrier.arrive $0xFFFF;
	s2 =	simm.s32 @!p0 $0x1C01  }
0x43: {  	[timem:s3], [sflag:s2] =	dma.local @!p0 [hbm:s0], s1  }
0x44: {  	s0 =	simm.s32 @!p0 $0x1  }
0x45: {  	_ =	swait.ge @!p0 [sflag:s0], s1  }
0x46: {  	s1 =	ssub.s32 @!p0 $0x0, s1;
	[sflag:s0] =	ssyncset.done @!p0 $0x0  }
0x47: {  	[sflag:s0] =	ssyncadd.s32 @!p0 s1  }
0x48: {  	[bflag:$0x3] =	sbarrier.arrive $0xFFFF  }
0x49: {  	_ =	shalt  }

// kernel: kernel.9.cloned.1.call-start
scs
__scs_entry_jumppad:
0x0: {  	(pc) =	sbr.rel $0x88, $3  }
0x1: {  	(tag) =	ssettag $0x0;
	lr =	simm.s32 $0x1  }
0x2: {  	[smem:$0x3F9C] =	sst lr;
	_ =	strace $0xD0000000  }
0x3: {  	_ = 	snop  }
0x4: {  	_ = 	snop  }
0x5: {  	_ = 	snop  }
0x6: {  	_ = 	snop  }
0x7: {  	_ = 	snop  }
__scs_overlays_trampoline_lowered:
0x8: {  	[smem:$0x3FAB] =	sst s0  }
0x9: {  	[smem:$0x3FAC] =	sst s1  }
0xa: {  	[smem:$0x3FAD] =	sst s2  }
0xb: {  	[smem:$0x3FAE] =	sst s3  }
0xc: {  	[smem:$0x3FAF] =	sst s4  }
0xd: {  	[smem:$0x3FB0] =	sst s5  }
0xe: {  	[smem:$0x3FB1] =	sst s6  }
0xf: {  	[smem:$0x3FB2] =	sst s7  }
0x10: {  	[smem:$0x3FB3] =	sst s8  }
0x11: {  	[smem:$0x3FB4] =	sst s9;
	s0 =	simm.s32 @!p0 $0x0  }
0x12: {  	s1 =	sld [smem:$0x3F9A];
	s0 =	simm.s32 @p0 $0x1  }
0x13: {  	[smem:$0x3FB5] =	sst s0;
	s0 =	simm.s32 @!p1 $0x0  }
0x14: {  	s2 =	sld [smem:$0x3F99];
	s0 =	simm.s32 @p1 $0x1  }
0x15: {  	[smem:$0x3FB6] =	sst s0;
	s0 =	simm.s32 @!p2 $0x0  }
0x16: {  	s3 =	sld [smem:$0x3FDB];
	s0 =	simm.s32 @p2 $0x1  }
0x17: {  	s4 =	simm.s32 $0x1BF5;
	[smem:$0x3FB8] =	sst s0  }
0x18: {  	s0 =	sld [smem:$0x3F9B];
	_ =	swait.ge [sflag:s4], $0x0  }
0x19: {  	s7 =	sld [smem:$0x3F9C]  }
0x1a: {  	s8 =	sadd.s32 $0xFFFFE003, lr  }
0x1b: {  	s9 =	sadd.s32 $0xFFFFFEF7, lr;
	s5 =	simm.s32 $0xFFFFFFFF;
	p2 =	slt.u32 s8, $0xFFFFF086  }
0x1c: {  	p1 =	slt.u32 s9, $0xF7A;
	s5 =	simm.s32 @!p2 $0x0  }
0x1d: {  	s5 =	simm.s32 @p1 $0x1;
	p0 =	seq.s32 s7, s2  }
0x1e: {  	s7 =	smul.u32 @!p0 $0xF7A, s2;
	p2 =	seq.s32 @!p0 s5, $0x0  }
0x1f: {  	s9 =	smul.u32 $0xF7A, s1;
	s8 =	simm.s32 @!p0 $0x1BF5;
	p2 =	por !p2, p0  }
0x20: {  	[sflag:s8] =	ssyncset.s32 @!p0 $0xFFFFF086;
	s6 =	sadd.s32 @!p0 s3, s7;
	s7 =	simm.s32 @!p0 $0x108  }
0x21: {  	s3 =	sadd.s32 s3, s9;
	s6 =	sadd.s32 @!p0 $0x88, s6;
	s7 =	simm.s32 @p2 $0x1082  }
0x22: {  	[simem:s7], [sflag:s8] =	dma.local @!p0 [hbm:s6], $0xF7A  }
0x23: {  	s9 =	sor.u32 $0xD0000000, s2;
	s6 =	simm.s32 $0x108;
	_ =	swait.ge @!p0 [sflag:s8], $0x0  }
0x24: {  	s3 =	sadd.s32 $0x88, s3;
	s6 =	simm.s32 @!p1 $0x1082;
	[sflag:s4] =	ssyncset.s32 $0xFFFFF086  }
0x25: {  	[simem:s6], [sflag:s4] =	dma.local [hbm:s3], $0xF7A  }
0x26: {  	[smem:$0x3F9C] =	sst s1;
	(tag) =	ssettag s2;
	_ =	strace s9  }
0x27: {  	s1 =	sld [smem:$0x3FAC]  }
0x28: {  	s2 =	sld [smem:$0x3FAD]  }
0x29: {  	s4 =	sld [smem:$0x3FAF]  }
0x2a: {  	p0 =	seq.s32 s5, $0x0;
	s5 =	sld [smem:$0x3FB0]  }
0x2b: {  	s6 =	sld [smem:$0x3FB1]  }
0x2c: {  	s7 =	sld [smem:$0x3FB2]  }
0x2d: {  	s3 =	simm.s32 $0x108;
	s8 =	sld [smem:$0x3FB3]  }
0x2e: {  	s3 =	simm.s32 @!p0 $0x1082;
	s9 =	sld [smem:$0x3FB4]  }
0x2f: {  	lr =	sadd.s32 s0, s3;
	s0 =	sld [smem:$0x3FAB]  }
0x30: {  	s3 =	sld [smem:$0x3FAE]  }
0x31: {  	[smem:$0x3FB7] =	sst s10  }
0x32: {  	s10 =	sld [smem:$0x3FB5];
	_ =	sdelay $0x3  }
0x33: {  	p0 =	seq.s32 s10, $0x1;
	s10 =	sld [smem:$0x3FB7];
	_ =	sdelay $0x3  }
0x34: {  	[smem:$0x3FB7] =	sst s10  }
0x35: {  	s10 =	sld [smem:$0x3FB6];
	_ =	sdelay $0x3  }
0x36: {  	p1 =	seq.s32 s10, $0x1;
	s10 =	sld [smem:$0x3FB7];
	_ =	sdelay $0x3  }
0x37: {  	[smem:$0x3FB7] =	sst s10  }
0x38: {  	s10 =	sld [smem:$0x3FB8]  }
0x39: {  	_ = 	snop;
	(pc) =	sbr.ind lr, $3  }
0x3a: {  	_ = 	snop  }
0x3b: {  	_ = 	snop  }
0x3c: {  	p2 =	seq.s32 s10, $0x1;
	s10 =	sld [smem:$0x3FB7]  }
0x3d: {  	_ =	shalt  }
0x3e: {  	_ =	shalt  }
0x3f: {  	_ =	shalt  }
0x40: {  	_ =	shalt  }
0x41: {  	_ =	shalt  }
0x42: {  	_ =	shalt  }
0x43: {  	_ =	shalt  }
0x44: {  	_ =	shalt  }
0x45: {  	_ =	shalt  }
0x46: {  	_ =	shalt  }
0x47: {  	_ =	shalt  }
0x48: {  	_ =	shalt  }
0x49: {  	_ =	shalt  }
0x4a: {  	_ =	shalt  }
0x4b: {  	_ =	shalt  }
0x4c: {  	_ =	shalt  }
0x4d: {  	_ =	shalt  }
0x4e: {  	_ =	shalt  }
0x4f: {  	_ =	shalt  }
0x50: {  	_ =	shalt  }
0x51: {  	_ =	shalt  }
0x52: {  	_ =	shalt  }
0x53: {  	_ =	shalt  }
0x54: {  	_ =	shalt  }
0x55: {  	_ =	shalt  }
0x56: {  	_ =	shalt  }
0x57: {  	_ =	shalt  }
0x58: {  	_ =	shalt  }
0x59: {  	_ =	shalt  }
0x5a: {  	_ =	shalt  }
0x5b: {  	_ =	shalt  }
0x5c: {  	_ =	shalt  }
0x5d: {  	_ =	shalt  }
0x5e: {  	_ =	shalt  }
0x5f: {  	_ =	shalt  }
0x60: {  	_ =	shalt  }
0x61: {  	_ =	shalt  }
0x62: {  	_ =	shalt  }
0x63: {  	_ =	shalt  }
0x64: {  	_ =	shalt  }
0x65: {  	_ =	shalt  }
0x66: {  	_ =	shalt  }
0x67: {  	_ =	shalt  }
0x68: {  	_ =	shalt  }
0x69: {  	_ =	shalt  }
0x6a: {  	_ =	shalt  }
0x6b: {  	_ =	shalt  }
0x6c: {  	_ =	shalt  }
0x6d: {  	_ =	shalt  }
0x6e: {  	_ =	shalt  }
0x6f: {  	_ =	shalt  }
0x70: {  	_ =	shalt  }
0x71: {  	_ =	shalt  }
0x72: {  	_ =	shalt  }
0x73: {  	_ =	shalt  }
0x74: {  	_ =	shalt  }
0x75: {  	_ =	shalt  }
0x76: {  	_ =	shalt  }
0x77: {  	_ =	shalt  }
0x78: {  	_ =	shalt  }
0x79: {  	_ =	shalt  }
0x7a: {  	_ =	shalt  }
0x7b: {  	_ =	shalt  }
0x7c: {  	_ =	shalt  }
0x7d: {  	_ =	shalt  }
0x7e: {  	_ =	shalt  }
0x7f: {  	_ =	shalt  }
0x80: {  	_ =	shalt  }
0x81: {  	_ =	shalt  }
0x82: {  	_ =	shalt  }
0x83: {  	_ =	shalt  }
0x84: {  	_ =	shalt  }
0x85: {  	_ =	shalt  }
0x86: {  	_ =	shalt  }
0x87: {  	_ =	shalt  }
.Lfunc_end0:
.L_simem_size_0:
called_computation.1_lowered:
.L_overlay_start_0:
0x88: {  	s2 =	sld [smem:$0x3FD9]  }
0x89: {  	s3 =	sld [smem:$0x3FFE];
	_ =	sdelay $0x1  }
0x8a: {  	s1 =	srdreg.scid  }
0x8b: {  	s0 =	sand.u32 $0x1, s1  }
0x8c: {  	s17 =	sshll.u32 s0, $0xA;
	s2 =	sadd.s32 s3, s2  }
0x8d: {  	s2 =	sadd.s32 s2, s17  }
0x8e: {  	[smem:$0x3FC3] =	sst s2  }
0x8f: {  	_ = 	snop  }
0x90: {  	s2 =	sld [smem:$0x3FD0];
	(tm) =	ssettm $0x1  }
0x91: {  	s18 =	sld [smem:$0x3FFB];
	_ =	sdelay $0x3  }
0x92: {  	_ =	strace s18  }
0x93: {  	s3 =	sld [smem:$0x3FFC];
	_ =	sdelay $0x3  }
0x94: {  	_ =	strace s3  }
0x95: {  	s3 =	sld [smem:$0x3FFD];
	_ =	sdelay $0x3  }
0x96: {  	_ =	strace s3  }
0x97: {  	_ =	strace $0x8FFFFFFF  }
0x98: {  	s19 =	sld [smem:$0x3FDB];
	_ =	sdelay $0x1  }
0x99: {  	s4 =	simm.s32 $_scs_section_size  }
0x9a: {  	s5 =	simm.s32 $_size__tile_overlayer_lowered;
	s6 =	simm.s32 $_tile_overlayer_lowered  }
0x9b: {  	s22 =	simm.s32 $0x1BFF;
	s21 =	sshll.u32 s6, $0x1;
	s3 =	sadd.s32 s4, s19  }
0x9c: {  	s7 =	simm.s32 $0x0;
	s20 =	sshll.u32 s5, $0x1;
	s5 =	sadd.s32 s21, s3  }
0x9d: {  	[timem:s7], [sflag:s22] =	dma.local [hbm:s5], s20  }
0x9e: {  	_ =	swait.ge [sflag:s22], s20  }
0x9f: {  	s4 =	ssub.s32 $0x0, s20;
	[sflag:s22] =	ssyncset.done $0x0  }
0xa0: {  	[sflag:s22] =	ssyncadd.s32 s4;
	_ =	sdelay $0x1  }
0xa1: {  	s23 =	simm.s32 $0x1B8B  }
0xa2: {  	_ =	swait.ge [sflag:s23], $0x1  }
0xa3: {  	[sflag:s23] =	ssyncset.done $0x0  }
0xa4: {  	s25 =	simm.s32 $0x1B8E;
	s24 =	sld [smem:$0x3FFE];
	[sflag:s23] =	ssyncadd.s32 $0xFFFFFFFF  }
0xa5: {  	s26 =	simm.s32 $execute0_lowered;
	[smem:$0x3FD2] =	sst s25  }
0xa6: {  	s5 =	sshll.u32 s26, $0x1;
	_ =	strace $0x80000049;
	[dreg:$0x1] =	wrdreg $0xFFFFFFFF  }
0xa7: {  	s28 =	simm.s32 $_size_execute0_lowered;
	s3 =	sadd.s32 s3, s5;
	[dreg:$0x0] =	wrdreg $0x0  }
0xa8: {  	s5 =	sshll.u32 s28, $0x1;
	[dreg:$0x2] =	wrdreg s3  }
0xa9: {  	[dreg:$0x3] =	wrdreg s5  }
0xaa: {  	[dreg:$0x4] =	wrdreg $0xC0  }
0xab: {  	_ =	task [dreg:s7], $0x5FFFF  }
0xac: {  	[dreg:$0x1] =	wrdreg $0xFFFFFFFF  }
0xad: {  	[dreg:$0x0] =	wrdreg $0x60  }
0xae: {  	[dreg:$0x2] =	wrdreg s24  }
0xaf: {  	[dreg:$0x3] =	wrdreg s2  }
0xb0: {  	[dreg:$0x4] =	wrdreg $0x0  }
0xb1: {  	[dreg:$0x5] =	wrdreg $0x9  }
0xb2: {  	_ =	task.clear_ibuf [dreg:s7], $0x6FFFF;
	_ =	strace $0x90000049  }
0xb3: {  	s29 =	simm.s32 $0x9;
	_ =	strace $0x8000004B  }
0xb4: {  	_ =	swait.ge [sflag:s29], $0x1  }
0xb5: {  	[sflag:s29] =	ssyncadd.s32 $0xFFFFFFFF  }
0xb6: {  	_ =	strace $0x9000004B  }
0xb7: {  	_ =	sfence  }
0xb8: {  	s30 =	sld [smem:$0x0];
	_ =	sdelay $0x2  }
0xb9: {  	s31 =	sshll.u32 s1, $0xD;
	s1 =	sshrl.u32 s1, $0x2  }
0xba: {  	s3 =	sand.u32 $0x4000, s31;
	s1 =	sadd.s32 s1, s30  }
0xbb: {  	s0 =	sor.u32 s3, s0;
	s1 =	sshll.u32 s1, $0x11  }
0xbc: {  	s0 =	sor.u32 s1, s0  }
0xbd: {  	s0 =	sadd.s32 $0x8F2B, s0  }
0xbe: {  	[sflag:s0] =	ssyncadd.remote.s32 $0x1  }
0xbf: {  	_ =	sfence.sel $0xFFFF  }
0xc0: {  	[dreg:$0x0] =	wrdreg $0xFFFFFFFF;
	(pc) =	sbr.abs _section_cstart, $3  }
0xc1: {  	[dreg:$0x1] =	wrdreg $0xFFFFFFFF  }
0xc2: {  	_ =	task.clear_ibuf [dreg:s7], $0x2FFFF;
	_ =	strace $0x9FFFFFFF  }
0xc3: {  	(tm) =	ssettm $0x7FFFFFFF  }
tec
execute0_lowered:
.L_overlay_start_1:
0x0: {  	(tag) =	ssettag $0x1  }
0x1: {  	s12 =	rddreg [dreg:$0x0]  }
0x2: {  	s9 =	rddreg [dreg:$0x1]  }
0x3: {  	s1 =	rddreg [dreg:$0x2]  }
0x4: {  	s3 =	simm.s32 $0x0;
	s4 =	srdreg.scid;
	s2 =	stileid.u32  }
0x5: {  	s17 =	simm.s32 $0x85600;
	s18 =	simm.s32 $0x15400;
	s19 =	simm.s32 $0x1  }
0x6: {  	s20 =	simm.s32 $0x1D480;
	s21 =	simm.s32 $0x19400;
	s22 =	simm.s32 $0x2  }
0x7: {  	s23 =	simm.s32 $0x3;
	s24 =	simm.s32 $0x14080;
	s25 =	simm.s32 $0x4  }
0x8: {  	s26 =	simm.s32 $0x0;
	[smem:$0x7FF] =	sst s3;
	s6 =	smul.u32 $0x50000, s2  }
0x9: {  	s8 =	sand.u32 $0x1, s4;
	s4 =	sadd.s32 $0x35600, s12;
	s13 =	smul.u32 $0x2800, s2  }
0xa: {  	s10 =	sadd.s32 $0x2A00, s12;
	s31 =	sshll.u32 s2, $0x6;
	_ =	strace $0x8000004A  }
0xb: {  	s5 =	sshll.u32 s8, $0x4;
	s7 =	ssub.s32 $0x2, s8;
	p0 =	seq.s32 s8, $0x1  }
0xc: {  	s5 =	sor.u32 s2, s5;
	s11 =	sshrl.u32 s7, $0x1;
	s6 =	sshrl.u32 s6, $0x2  }
0xd: {  	s17 =	simm.s32 @!p0 $0x5D600;
	s14 =	smul.u32 $0x500, s5;
	s11 =	ssub.s32 s7, s11  }
0xe: {  	s15 =	smul.u32 $0x2800, s5;
	s16 =	sadd.s32 s6, s1;
	s5 =	sadd.s32 s4, s13  }
0xf: {  	s6 =	sor.u32 $0x1C05, s31;
	s12 =	sadd.s32 s17, s12;
	s17 =	simm.s32 $0x80  }
0x10: {  	s11 =	smax.u32 s11, $0x1;
	s12 =	sadd.s32 s12, s13;
	s13 =	sshrl.u32 s16, $0x3  }
0x11: {  	s16 =	simm.s32 $0x14000;
	s7 =	sadd.s32 s9, s14;
	s15 =	sshrl.u32 s15, $0x3  }
0x12: {  	s8 =	sadd.s32 s10, s14;
	s14 =	simm.s32 $0x5;
	s15 =	sadd.s32 $0x280, s15  }
0x13: {  	s9 =	sadd.s32 s9, s15;
	s10 =	sadd.s32 s10, s15;
	s15 =	simm.s32 $0x1D400  }
.LBB2_1:
0x14: {  	[spmem:s13], [sflag:s6] =	dma.local [hbm:s5], $0x2800  }
0x15: {  	_ =	swait.ge [sflag:s14], $0x2800  }
0x16: {  	[sflag:s14] =	ssyncset.done $0x0  }
0x17: {  	[sflag:s14] =	ssyncadd.s32 $0xFFFFD800  }
0x18: {  	[bflag:$0x0] =	sbarrier.arrive $0xFFFF  }
0x19: {  	[tilespmem:s15], [sflag:$0x5] =	stream.linear.gather [hbm4b:s7+s3], $0x1400, $0x38;
	[tilespmem:$0x1E800] =	vst v63  }
0x1a: {  	_ =	swait.ge [sflag:s14], $0x1400  }
0x1b: {  	[sflag:s14] =	ssyncset.done $0x0  }
0x1c: {  	[sflag:s14] =	ssyncadd.s32 $0xFFFFEC00  }
0x1d: {  	[tilespmem:s16], [sflag:$0x5] =	stream.linear.gather [hbm4b:s8+s3], $0x1400, $0x38;
	[tilespmem:$0x1E800] =	vst v63  }
0x1e: {  	_ =	swait.ge [sflag:s14], $0x1400  }
0x1f: {  	[sflag:s14] =	ssyncset.done $0x0  }
0x20: {  	[sflag:s14] =	ssyncadd.s32 $0xFFFFEC00  }
0x21: {  	[tilespmem:s18], [sflag:$0x1] =	stream.indirect.gather [hbm4b:s4+s17], $0x80, s15, s17, $0xb8;
	[tilespmem:$0x1E800] =	vst v63  }
0x22: {  	_ =	swait.ge [sflag:s19], $0x4000  }
0x23: {  	[sflag:s19] =	ssyncset.done $0x0  }
0x24: {  	[sflag:s19] =	ssyncadd.s32 $0xFFFFC000  }
0x25: {  	[spmem:s1] =	stream.indirect.scatter.add.f32 [tilespmem:s18], [sflag:$0x3], $0x80, s16, s17, $0xb8;
	[tilespmem:$0x1E800] =	vst v63  }
0x26: {  	_ = 	snop  }
0x27: {  	[tilespmem:s21], [sflag:$0x2] =	stream.indirect.gather [hbm4b:s4+s17], $0x80, s20, s17, $0xb8;
	[tilespmem:$0x1E800] =	vst v63  }
0x28: {  	_ =	swait.ge [sflag:s22], $0x4000  }
0x29: {  	[sflag:s22] =	ssyncset.done $0x0  }
0x2a: {  	[sflag:s22] =	ssyncadd.s32 $0xFFFFC000  }
0x2b: {  	_ =	swait.ge [sflag:s23], $0x4000  }
0x2c: {  	[sflag:s23] =	ssyncset.done $0x0  }
0x2d: {  	[sflag:s23] =	ssyncadd.s32 $0xFFFFC000  }
0x2e: {  	[spmem:s1] =	stream.indirect.scatter.add.f32 [tilespmem:s21], [sflag:$0x4], $0x80, s24, s17, $0xb8;
	[tilespmem:$0x1E800] =	vst v63  }
0x2f: {  	s28 =	simm.s32 $0x1D500  }
0x30: {  	[tilespmem:s18], [sflag:$0x1] =	stream.indirect.gather [hbm4b:s4+s17], $0x80, s28, s17, $0xb8;
	[tilespmem:$0x1E800] =	vst v63  }
0x31: {  	_ =	swait.ge [sflag:s19], $0x4000  }
0x32: {  	[sflag:s19] =	ssyncset.done $0x0  }
0x33: {  	[sflag:s19] =	ssyncadd.s32 $0xFFFFC000  }
0x34: {  	_ =	swait.ge [sflag:s25], $0x4000  }
0x35: {  	[sflag:s25] =	ssyncset.done $0x0  }
0x36: {  	s28 =	simm.s32 $0x14100;
	[sflag:s25] =	ssyncadd.s32 $0xFFFFC000  }
0x37: {  	[spmem:s1] =	stream.indirect.scatter.add.f32 [tilespmem:s18], [sflag:$0x3], $0x80, s28, s17, $0xb8;
	[tilespmem:$0x1E800] =	vst v63  }
0x38: {  	s28 =	simm.s32 $0x1D580  }
0x39: {  	[tilespmem:s21], [sflag:$0x2] =	stream.indirect.gather [hbm4b:s4+s17], $0x80, s28, s17, $0xb8;
	[tilespmem:$0x1E800] =	vst v63  }
0x3a: {  	_ =	swait.ge [sflag:s22], $0x4000  }
0x3b: {  	[sflag:s22] =	ssyncset.done $0x0  }
0x3c: {  	[sflag:s22] =	ssyncadd.s32 $0xFFFFC000  }
0x3d: {  	_ =	swait.ge [sflag:s23], $0x4000  }
0x3e: {  	s29 =	simm.s32 $0xFFFFBC00;
	[sflag:s23] =	ssyncset.done $0x0  }
0x3f: {  	s30 =	simm.s32 $0x14180;
	s28 =	simm.s32 $0xFFFFEE00;
	[sflag:s23] =	ssyncadd.s32 $0xFFFFC000  }
.LBB2_2:
0x40: {  	[spmem:s1] =	stream.indirect.scatter.add.f32 [tilespmem:s21], [sflag:$0x4], $0x80, s30, s17, $0xb8;
	[tilespmem:$0x1E800] =	vst v63  }
0x41: {  	s30 =	smov.u32 s29  }
0x42: {  	s0 =	sadd.s32 $0x400, s29;
	s31 =	sshra.s32 s30, $0x2;
	s30 =	sadd.s32 $0x1E800, s28  }
0x43: {  	[tilespmem:s18], [sflag:$0x1] =	stream.indirect.gather [hbm4b:s4+s17], $0x80, s30, s17, $0xb8;
	[tilespmem:$0x1E800] =	vst v63  }
0x44: {  	p0 =	sne.s32 s29, $0xFFFFFC00;
	_ =	swait.ge [sflag:s19], $0x4000  }
0x45: {  	[sflag:s19] =	ssyncset.done $0x0  }
0x46: {  	[sflag:s19] =	ssyncadd.s32 $0xFFFFC000  }
0x47: {  	_ =	swait.ge [sflag:s25], $0x4000  }
0x48: {  	[sflag:s25] =	ssyncset.done $0x0  }
0x49: {  	s29 =	sadd.s32 $0x15400, s28;
	[sflag:s25] =	ssyncadd.s32 $0xFFFFC000  }
0x4a: {  	[spmem:s1] =	stream.indirect.scatter.add.f32 [tilespmem:s18], [sflag:$0x3], $0x80, s29, s17, $0xb8;
	[tilespmem:$0x1E800] =	vst v63  }
0x4b: {  	s29 =	sadd.s32 $0x1E880, s28  }
0x4c: {  	[tilespmem:s21], [sflag:$0x2] =	stream.indirect.gather [hbm4b:s4+s17], $0x80, s29, s17, $0xb8;
	[tilespmem:$0x1E800] =	vst v63  }
0x4d: {  	_ =	swait.ge [sflag:s22], $0x4000  }
.Ltmp0:
0x4e: {  	[sflag:s22] =	ssyncset.done $0x0;
	(pc) =	sbr.rel @p0 .LBB2_2-.Ltmp0, $4  }
0x4f: {  	[sflag:s22] =	ssyncadd.s32 $0xFFFFC000  }
0x50: {  	_ =	swait.ge [sflag:s23], $0x4000  }
0x51: {  	s30 =	sadd.s32 $0x15480, s28;
	[sflag:s23] =	ssyncset.done $0x0  }
0x52: {  	s28 =	smov.u32 s31;
	s29 =	smov.u32 s0;
	[sflag:s23] =	ssyncadd.s32 $0xFFFFC000  }
0x53: {  	[spmem:s1] =	stream.indirect.scatter.add.f32 [tilespmem:s21], [sflag:$0x4], $0x80, s30, s17, $0xb8;
	[tilespmem:$0x1E800] =	vst v63  }
0x54: {  	s0 =	sadd.s32 $0x1E800, s28  }
0x55: {  	[tilespmem:s18], [sflag:$0x1] =	stream.indirect.gather [hbm4b:s4+s17], $0x80, s0, s17, $0xb8;
	[tilespmem:$0x1E800] =	vst v63  }
0x56: {  	_ =	swait.ge [sflag:s19], $0x4000  }
0x57: {  	[sflag:s19] =	ssyncset.done $0x0  }
0x58: {  	[sflag:s19] =	ssyncadd.s32 $0xFFFFC000  }
0x59: {  	_ =	swait.ge [sflag:s25], $0x4000  }
0x5a: {  	[sflag:s25] =	ssyncset.done $0x0  }
0x5b: {  	s31 =	sadd.s32 $0x15400, s28;
	[sflag:s25] =	ssyncadd.s32 $0xFFFFC000  }
0x5c: {  	[spmem:s1] =	stream.indirect.scatter.add.f32 [tilespmem:s18], [sflag:$0x3], $0x80, s31, s17, $0xb8;
	[tilespmem:$0x1E800] =	vst v63  }
0x5d: {  	s31 =	sadd.s32 $0x1E880, s28  }
0x5e: {  	[tilespmem:s21], [sflag:$0x2] =	stream.indirect.gather [hbm4b:s4+s17], $0x80, s31, s17, $0xb8;
	[tilespmem:$0x1E800] =	vst v63  }
0x5f: {  	_ =	swait.ge [sflag:s22], $0x4000  }
0x60: {  	[sflag:s22] =	ssyncset.done $0x0  }
0x61: {  	[sflag:s22] =	ssyncadd.s32 $0xFFFFC000  }
0x62: {  	_ =	swait.ge [sflag:s23], $0x4000  }
0x63: {  	[sflag:s23] =	ssyncset.done $0x0  }
0x64: {  	s31 =	sadd.s32 $0x15480, s28;
	[sflag:s23] =	ssyncadd.s32 $0xFFFFC000  }
0x65: {  	[spmem:s1] =	stream.indirect.scatter.add.f32 [tilespmem:s21], [sflag:$0x4], $0x80, s31, s17, $0xb8;
	[tilespmem:$0x1E800] =	vst v63  }
0x66: {  	_ =	swait.ge [sflag:s25], $0x4000  }
0x67: {  	[sflag:s25] =	ssyncset.done $0x0  }
0x68: {  	[sflag:s25] =	ssyncadd.s32 $0xFFFFC000  }
0x69: {  	[tilespmem:s15], [sflag:$0x5] =	stream.linear.gather [hbm4b:s9+s3], $0x1400, $0x38;
	[tilespmem:$0x1E800] =	vst v63  }
0x6a: {  	_ =	swait.ge [sflag:s14], $0x1400  }
0x6b: {  	[sflag:s14] =	ssyncset.done $0x0  }
0x6c: {  	[sflag:s14] =	ssyncadd.s32 $0xFFFFEC00  }
0x6d: {  	[tilespmem:s16], [sflag:$0x5] =	stream.linear.gather [hbm4b:s10+s3], $0x1400, $0x38;
	[tilespmem:$0x1E800] =	vst v63  }
0x6e: {  	_ =	swait.ge [sflag:s14], $0x1400  }
0x6f: {  	[sflag:s14] =	ssyncset.done $0x0  }
0x70: {  	[sflag:s14] =	ssyncadd.s32 $0xFFFFEC00  }
0x71: {  	[tilespmem:s18], [sflag:$0x1] =	stream.indirect.gather [hbm4b:s4+s17], $0x80, s15, s17, $0xb8;
	[tilespmem:$0x1E800] =	vst v63  }
0x72: {  	_ =	swait.ge [sflag:s19], $0x4000  }
0x73: {  	[sflag:s19] =	ssyncset.done $0x0  }
0x74: {  	[sflag:s19] =	ssyncadd.s32 $0xFFFFC000  }
0x75: {  	[spmem:s1] =	stream.indirect.scatter.add.f32 [tilespmem:s18], [sflag:$0x3], $0x80, s16, s17, $0xb8;
	[tilespmem:$0x1E800] =	vst v63  }
0x76: {  	_ = 	snop  }
0x77: {  	[tilespmem:s21], [sflag:$0x2] =	stream.indirect.gather [hbm4b:s4+s17], $0x80, s20, s17, $0xb8;
	[tilespmem:$0x1E800] =	vst v63  }
0x78: {  	_ =	swait.ge [sflag:s22], $0x4000  }
0x79: {  	[sflag:s22] =	ssyncset.done $0x0  }
0x7a: {  	[sflag:s22] =	ssyncadd.s32 $0xFFFFC000  }
0x7b: {  	_ =	swait.ge [sflag:s23], $0x4000  }
0x7c: {  	[sflag:s23] =	ssyncset.done $0x0  }
0x7d: {  	[sflag:s23] =	ssyncadd.s32 $0xFFFFC000  }
0x7e: {  	[spmem:s1] =	stream.indirect.scatter.add.f32 [tilespmem:s21], [sflag:$0x4], $0x80, s24, s17, $0xb8;
	[tilespmem:$0x1E800] =	vst v63  }
0x7f: {  	s31 =	simm.s32 $0x1D500  }
0x80: {  	[tilespmem:s18], [sflag:$0x1] =	stream.indirect.gather [hbm4b:s4+s17], $0x80, s31, s17, $0xb8;
	[tilespmem:$0x1E800] =	vst v63  }
0x81: {  	_ =	swait.ge [sflag:s19], $0x4000  }
0x82: {  	[sflag:s19] =	ssyncset.done $0x0  }
0x83: {  	[sflag:s19] =	ssyncadd.s32 $0xFFFFC000  }
0x84: {  	_ =	swait.ge [sflag:s25], $0x4000  }
0x85: {  	[sflag:s25] =	ssyncset.done $0x0  }
0x86: {  	s31 =	simm.s32 $0x14100;
	[sflag:s25] =	ssyncadd.s32 $0xFFFFC000  }
0x87: {  	[spmem:s1] =	stream.indirect.scatter.add.f32 [tilespmem:s18], [sflag:$0x3], $0x80, s31, s17, $0xb8;
	[tilespmem:$0x1E800] =	vst v63  }
0x88: {  	s31 =	simm.s32 $0x1D580  }
0x89: {  	[tilespmem:s21], [sflag:$0x2] =	stream.indirect.gather [hbm4b:s4+s17], $0x80, s31, s17, $0xb8;
	[tilespmem:$0x1E800] =	vst v63  }
0x8a: {  	_ =	swait.ge [sflag:s22], $0x4000  }
0x8b: {  	[sflag:s22] =	ssyncset.done $0x0  }
0x8c: {  	[sflag:s22] =	ssyncadd.s32 $0xFFFFC000  }
0x8d: {  	_ =	swait.ge [sflag:s23], $0x4000  }
0x8e: {  	s29 =	simm.s32 $0xFFFFBC00;
	[sflag:s23] =	ssyncset.done $0x0  }
0x8f: {  	s30 =	simm.s32 $0x14180;
	s28 =	simm.s32 $0xFFFFEE00;
	[sflag:s23] =	ssyncadd.s32 $0xFFFFC000  }
.LBB2_4:
0x90: {  	[spmem:s1] =	stream.indirect.scatter.add.f32 [tilespmem:s21], [sflag:$0x4], $0x80, s30, s17, $0xb8;
	[tilespmem:$0x1E800] =	vst v63  }
0x91: {  	s0 =	smov.u32 s29  }
0x92: {  	s31 =	sadd.s32 $0x400, s29;
	s30 =	sadd.s32 $0x1E800, s28;
	s0 =	sshra.s32 s0, $0x2  }
0x93: {  	[tilespmem:s18], [sflag:$0x1] =	stream.indirect.gather [hbm4b:s4+s17], $0x80, s30, s17, $0xb8;
	[tilespmem:$0x1E800] =	vst v63  }
0x94: {  	p0 =	sne.s32 s29, $0xFFFFFC00;
	_ =	swait.ge [sflag:s19], $0x4000  }
0x95: {  	[sflag:s19] =	ssyncset.done $0x0  }
0x96: {  	[sflag:s19] =	ssyncadd.s32 $0xFFFFC000  }
0x97: {  	_ =	swait.ge [sflag:s25], $0x4000  }
0x98: {  	[sflag:s25] =	ssyncset.done $0x0  }
0x99: {  	s29 =	sadd.s32 $0x15400, s28;
	[sflag:s25] =	ssyncadd.s32 $0xFFFFC000  }
0x9a: {  	[spmem:s1] =	stream.indirect.scatter.add.f32 [tilespmem:s18], [sflag:$0x3], $0x80, s29, s17, $0xb8;
	[tilespmem:$0x1E800] =	vst v63  }
0x9b: {  	s29 =	sadd.s32 $0x1E880, s28  }
0x9c: {  	[tilespmem:s21], [sflag:$0x2] =	stream.indirect.gather [hbm4b:s4+s17], $0x80, s29, s17, $0xb8;
	[tilespmem:$0x1E800] =	vst v63  }
0x9d: {  	_ =	swait.ge [sflag:s22], $0x4000  }
.Ltmp1:
0x9e: {  	[sflag:s22] =	ssyncset.done $0x0;
	(pc) =	sbr.rel @p0 .LBB2_4-.Ltmp1, $4  }
0x9f: {  	[sflag:s22] =	ssyncadd.s32 $0xFFFFC000  }
0xa0: {  	_ =	swait.ge [sflag:s23], $0x4000  }
0xa1: {  	s30 =	sadd.s32 $0x15480, s28;
	[sflag:s23] =	ssyncset.done $0x0  }
0xa2: {  	s28 =	smov.u32 s0;
	s29 =	smov.u32 s31;
	[sflag:s23] =	ssyncadd.s32 $0xFFFFC000  }
0xa3: {  	[spmem:s1] =	stream.indirect.scatter.add.f32 [tilespmem:s21], [sflag:$0x4], $0x80, s30, s17, $0xb8;
	[tilespmem:$0x1E800] =	vst v63  }
0xa4: {  	s0 =	sadd.s32 $0x1E800, s28  }
0xa5: {  	[tilespmem:s18], [sflag:$0x1] =	stream.indirect.gather [hbm4b:s4+s17], $0x80, s0, s17, $0xb8;
	[tilespmem:$0x1E800] =	vst v63  }
0xa6: {  	_ =	swait.ge [sflag:s19], $0x4000  }
0xa7: {  	[sflag:s19] =	ssyncset.done $0x0  }
0xa8: {  	[sflag:s19] =	ssyncadd.s32 $0xFFFFC000  }
0xa9: {  	_ =	swait.ge [sflag:s25], $0x4000  }
0xaa: {  	[sflag:s25] =	ssyncset.done $0x0  }
0xab: {  	s29 =	sadd.s32 $0x15400, s28;
	[sflag:s25] =	ssyncadd.s32 $0xFFFFC000  }
0xac: {  	[spmem:s1] =	stream.indirect.scatter.add.f32 [tilespmem:s18], [sflag:$0x3], $0x80, s29, s17, $0xb8;
	[tilespmem:$0x1E800] =	vst v63  }
0xad: {  	s30 =	sadd.s32 $0x1E880, s28  }
0xae: {  	[tilespmem:s21], [sflag:$0x2] =	stream.indirect.gather [hbm4b:s4+s17], $0x80, s30, s17, $0xb8;
	[tilespmem:$0x1E800] =	vst v63  }
0xaf: {  	_ =	swait.ge [sflag:s22], $0x4000  }
0xb0: {  	[sflag:s22] =	ssyncset.done $0x0  }
0xb1: {  	[sflag:s22] =	ssyncadd.s32 $0xFFFFC000  }
0xb2: {  	_ =	swait.ge [sflag:s23], $0x4000  }
0xb3: {  	[sflag:s23] =	ssyncset.done $0x0  }
0xb4: {  	s31 =	sadd.s32 $0x15480, s28;
	[sflag:s23] =	ssyncadd.s32 $0xFFFFC000  }
0xb5: {  	[spmem:s1] =	stream.indirect.scatter.add.f32 [tilespmem:s21], [sflag:$0x4], $0x80, s31, s17, $0xb8;
	[tilespmem:$0x1E800] =	vst v63  }
0xb6: {  	_ =	swait.ge [sflag:s25], $0x4000  }
0xb7: {  	s26 =	sadd.s32 $0x1, s26;
	[sflag:s25] =	ssyncset.done $0x0  }
0xb8: {  	p0 =	sne.s32 s26, s11;
	[sflag:s25] =	ssyncadd.s32 $0xFFFFC000  }
.Ltmp2:
0xb9: {  	[bflag:$0x0] =	sbarrier.arrive $0xFFFF;
	(pc) =	sbr.rel @p0 .LBB2_1-.Ltmp2, $4  }
0xba: {  	[hbm:s12], [sflag:s6] =	dma.local [spmem:s13], $0x2800  }
0xbb: {  	_ =	swait.ge [sflag:s14], $0x2800  }
0xbc: {  	[sflag:s14] =	ssyncset.done $0x0  }
0xbd: {  	[sflag:s14] =	ssyncadd.s32 $0xFFFFD800  }
0xbe: {  	_ =	sfence.sel $0x180000  }
0xbf: {  	[bflag:$0x0] =	sbarrier.arrive $0xFFFF  }
0xc0: {  	_ =	strace $0x9000004A  }
0xc1: {  	[bflag:$0x2] =	sbarrier.arrive $0xFFFF  }
0xc2: {  	p0 =	sne.s32 s2, $0x0;
	s0 =	rddreg [dreg:$0x3]  }
0xc3: {  	s0 =	sadd.s32 @!p0 $0x100000, s0  }
0xc4: {  	[sflag:s0] =	ssyncadd.tile.s32 @!p0 $0x1;
	_ =	shalt  }
.Lfunc_end2:
_tile_overlayer_lowered:
.L_overlay_start_2:
0xc5: {  	(tag) =	ssettag $0x2  }
0xc6: {  	s0 =	rddreg [dreg:$0x0];
	s2 =	stileid.u32  }
0xc7: {  	s1 =	rddreg [dreg:$0x1];
	p0 =	sne.s32 s2, $0x0  }
0xc8: {  	s3 =	rddreg [dreg:$0x2];
	[bflag:$0x3] =	sbarrier.arrive $0xFFFF;
	s2 =	simm.s32 @!p0 $0x1C05  }
0xc9: {  	[timem:s3], [sflag:s2] =	dma.local @!p0 [hbm:s0], s1  }
0xca: {  	s0 =	simm.s32 @!p0 $0x5  }
0xcb: {  	_ =	swait.ge @!p0 [sflag:s0], s1  }
0xcc: {  	s1 =	ssub.s32 @!p0 $0x0, s1;
	[sflag:s0] =	ssyncset.done @!p0 $0x0  }
0xcd: {  	[sflag:s0] =	ssyncadd.s32 @!p0 s1  }
0xce: {  	[bflag:$0x3] =	sbarrier.arrive $0xFFFF  }
0xcf: {  	_ =	shalt  }

</sc_bundles>
